<compile_context>
chip_gen: v7x
topology: tpu7x:2x2x1
jax: 0.10.2.dev20260603
libtpu: 0.0.44.dev20260713+nightly
codegen_flags: <defaults>
</compile_context>

<pallas_src>
import functools

import jax
import jax.numpy as jnp
from jax import lax
from jax.experimental import pallas as pl
from jax.experimental.pallas import tpu as pltpu
from jax.experimental.pallas import tpu_sc as plsc

VOCAB = 1000000
D = 64
DP = 128
B, L = 4096, 200
N_TOK = B * L
NW = 32
TPW = N_TOK // NW
SEQ_PER_W = TPW // L
SPB = 2
NBLK = SEQ_PER_W // SPB
CH = 128


VC = 16384


def _tp_body(in_ref, out_ref):
    out_ref[:, 0:D] = in_ref[...].T


def _transpose_pad_table(table_t):
    return pl.pallas_call(
        _tp_body,
        out_shape=jax.ShapeDtypeStruct((VOCAB, DP), jnp.float32),
        grid=(pl.cdiv(VOCAB, VC),),
        in_specs=[pl.BlockSpec((D, VC), lambda i: (0, i))],
        out_specs=pl.BlockSpec((VC, DP), lambda i: (i, 0)),
    )(table_t)


NBUF = 4


def _embed_lookup(targets_flat, table_padded):
    mesh = plsc.VectorSubcoreMesh(core_axis_name="c", subcore_axis_name="s")

    @functools.partial(
        pl.kernel,
        mesh=mesh,
        compiler_params=pltpu.CompilerParams(use_tc_tiling_on_sc=False),
        out_type=jax.ShapeDtypeStruct((B, L, DP), jnp.float32),
        scratch_types=[
            pltpu.VMEM((TPW,), jnp.int32),
            pltpu.VMEM((NBUF, L, D), jnp.float32),
            [pltpu.SemaphoreType.DMA] * NBUF,
            [pltpu.SemaphoreType.DMA] * NBUF,
        ],
    )
    def k(tgt_hbm, table_hbm, out_hbm, raw_v, rows_v, gsem, ssem):
        wid = lax.axis_index("s") * 2 + lax.axis_index("c")
        base = wid * TPW
        pltpu.sync_copy(tgt_hbm.at[pl.ds(base, TPW)], raw_v)
        for b in range(NBUF):
            pltpu.sync_copy(table_hbm.at[pl.ds(0, 8)],
                            rows_v.at[b, pl.ds(0, 8)])

        def fire_gather(i, b):
            tok0 = i * L
            pltpu.async_copy(
                table_hbm.at[raw_v.at[pl.ds(tok0, CH)]],
                rows_v.at[b, pl.ds(1, CH)],
                gsem[b])
            pltpu.async_copy(
                table_hbm.at[raw_v.at[pl.ds(tok0 + CH, L - 1 - CH)]],
                rows_v.at[b, pl.ds(1 + CH, L - 1 - CH)],
                gsem[b])

        def wait_gather(b):
            pltpu.make_async_copy(
                table_hbm.at[raw_v.at[pl.ds(0, CH)]],
                rows_v.at[b, pl.ds(1, CH)],
                gsem[b]).wait()
            pltpu.make_async_copy(
                table_hbm.at[raw_v.at[pl.ds(CH, L - 1 - CH)]],
                rows_v.at[b, pl.ds(1 + CH, L - 1 - CH)],
                gsem[b]).wait()

        def start_store(i, b):
            pltpu.async_copy(
                rows_v.at[b],
                out_hbm.at[wid * SEQ_PER_W + i, :, pl.ds(0, D)],
                ssem[b])

        def wait_store(b):
            pltpu.make_async_copy(
                rows_v.at[b], out_hbm.at[0, :, pl.ds(0, D)], ssem[b]).wait()

        for b in range(NBUF - 1):
            fire_gather(b, b)

        def blk(g, carry):
            for b in range(NBUF):
                i = g * NBUF + b
                wait_gather(b)
                start_store(i, b)

                bb = (b + NBUF - 1) % NBUF

                @pl.when(i + NBUF - 1 < SEQ_PER_W)
                def _():
                    @pl.when(i >= 1)
                    def _():
                        wait_store(bb)
                    fire_gather(i + NBUF - 1, bb)
            return carry

        lax.fori_loop(0, SEQ_PER_W // NBUF, blk, 0)
        for b in range(NBUF):
            wait_store(b)

    return k(targets_flat, table_padded)


def kernel(targets, table):
    flat = (targets.astype(jnp.int32) * 2).reshape(N_TOK)
    table_padded = _transpose_pad_table(table.T)
    out_padded = _embed_lookup(flat, table_padded.reshape(2 * VOCAB, D))
    return out_padded[:, :, :D]

# --- scband reference (transcript-rebuilt; emitter-appended) ---
"""Pipeline reference for scband-targets-embedder-9320079032820 (READ-ONLY COPY).

The authoritative reference and input builder live on the scoring server;
editing this copy changes nothing except your own understanding.
"""

import jax, jax.numpy as jnp
import numpy as np

VOCAB = 1000000
EMBED_DIM = 64
B, L = 4096, 200


def shift_right(x):
    # utils.shift_right: pad with 0 (BOS) at the front along the time axis, drop last token
    pad_widths = [(0, 0), (1, 0)]
    padded = jnp.pad(x, pad_widths, mode='constant', constant_values=0)
    return padded[:, :-1]


def setup_inputs(seed: int = 0) -> dict:
    key = jax.random.key(seed)
    k1, k2 = jax.random.split(key)
    targets = jax.random.randint(k1, (B, L), 0, VOCAB, dtype=jnp.int64 if jax.config.jax_enable_x64 else jnp.int32).astype(jnp.int32)
    # learned embedding table (token_embedder params), normal init scaled like nn.Embed default
    table = jax.random.normal(k2, (VOCAB, EMBED_DIM), dtype=jnp.float32) * (1.0 / np.sqrt(EMBED_DIM))
    return {"targets": targets, "table": table}


def reference(targets, table):
    # TargetsEmbedder.__call__: config.decode == False -> shift_right then embed
    y = targets.astype('int32')
    y = shift_right(y)
    out = jnp.take(table, y, axis=0)  # (B, L, D)
    return out

if __name__ == "__main__":
    import jax
    _d = setup_inputs()
    print(jax.jit(kernel)(*tuple(_d.values())))

</pallas_src>

<mosaic_0001>
#map = affine_map<(d0, d1) -> (0)>
#map1 = affine_map<(d0, d1) -> (0, 0)>
#map2 = affine_map<(d0, d1) -> (0, 0, 0)>
module attributes {stable_mosaic.version = 14 : i64} {
  func.func @k(%arg0: i32, %arg1: i32, %arg2: memref<819200xi32, #tpu.memory_space<hbm>>, %arg3: memref<2000000x64xf32, #tpu.memory_space<hbm>>, %arg4: memref<4096x200x128xf32, #tpu.memory_space<hbm>>, %arg5: memref<25600xi32, #tpu.memory_space<vmem>>, %arg6: memref<4x200x64xf32, #tpu.memory_space<vmem>>, %arg7: memref<!tpu.dma_semaphore, #tpu.memory_space<semaphore_mem>>, %arg8: memref<!tpu.dma_semaphore, #tpu.memory_space<semaphore_mem>>, %arg9: memref<!tpu.dma_semaphore, #tpu.memory_space<semaphore_mem>>, %arg10: memref<!tpu.dma_semaphore, #tpu.memory_space<semaphore_mem>>, %arg11: memref<!tpu.dma_semaphore, #tpu.memory_space<semaphore_mem>>, %arg12: memref<!tpu.dma_semaphore, #tpu.memory_space<semaphore_mem>>, %arg13: memref<!tpu.dma_semaphore, #tpu.memory_space<semaphore_mem>>, %arg14: memref<!tpu.dma_semaphore, #tpu.memory_space<semaphore_mem>>) attributes {dimension_semantics = [#tpu.dimension_semantics<core_parallel>, #tpu.dimension_semantics<subcore_parallel>], iteration_bounds = array<i64: 2, 16>, scalar_prefetch = 0 : i64, scratch_operands = 10 : i64, tpu.core_type = #tpu.core_type<sc_vector_subcore>, window_params = [{transform_indices = #map}, {transform_indices = #map1}, {transform_indices = #map2}]} {
    %mul3A = arith.constant 2 : i32
    %mul3A_0 = arith.muli %arg1, %mul3A : i32
    %add3A = arith.addi %mul3A_0, %arg0 : i32
    %mul3A_1 = arith.constant 25600 : i32
    %mul3A_2 = arith.muli %add3A, %mul3A_1 : i32
    "tpu.region"() ({
      %run_scoped3A_141 = tpu.sem_alloc : memref<!tpu.dma_semaphore, #tpu.memory_space<semaphore_mem>>
      %dma_start3A_142 = tpu.memref_slice %arg2[%mul3A_2] : memref<819200xi32, #tpu.memory_space<hbm>> -> memref<25600xi32, #tpu.memory_space<hbm>>
      %dma_start3A_143 = tpu.memref_slice %arg2[%mul3A_2] : memref<819200xi32, #tpu.memory_space<hbm>> -> memref<25600xi32, #tpu.memory_space<hbm>>
      tpu.enqueue_dma source(%dma_start3A_143 : memref<25600xi32, #tpu.memory_space<hbm>>) target(%arg5 : memref<25600xi32, #tpu.memory_space<vmem>>) target_semaphore(%run_scoped3A_141 : memref<!tpu.dma_semaphore, #tpu.memory_space<semaphore_mem>>)
      %dma_wait3A_144 = tpu.memref_slice %arg2[%mul3A_2] : memref<819200xi32, #tpu.memory_space<hbm>> -> memref<25600xi32, #tpu.memory_space<hbm>>
      %dma_wait3A_145 = tpu.memref_slice %arg2[%mul3A_2] : memref<819200xi32, #tpu.memory_space<hbm>> -> memref<25600xi32, #tpu.memory_space<hbm>>
      tpu.wait_dma2 semaphore(%run_scoped3A_141 : memref<!tpu.dma_semaphore, #tpu.memory_space<semaphore_mem>>) src(%dma_wait3A_145 : memref<25600xi32, #tpu.memory_space<hbm>>) dst(%arg5 : memref<25600xi32, #tpu.memory_space<vmem>>)
      tpu.yield
    }) : () -> ()
    %run_scoped3A = arith.constant 0 : i32
    "tpu.region"() ({
      %run_scoped3A_141 = tpu.sem_alloc : memref<!tpu.dma_semaphore, #tpu.memory_space<semaphore_mem>>
      %dma_start3A_142 = arith.constant 0 : i32
      %dma_start3A_143 = arith.constant 0 : i32
      %dma_start3A_144 = tpu.memref_slice %arg6[%run_scoped3A, %dma_start3A_142, %dma_start3A_143] : memref<4x200x64xf32, #tpu.memory_space<vmem>> -> memref<1x8x64xf32, #tpu.memory_space<vmem>>
      %dma_start3A_145 = tpu.memref_squeeze %dma_start3A_144 : memref<1x8x64xf32, #tpu.memory_space<vmem>> -> memref<8x64xf32, #tpu.memory_space<vmem>>
      %dma_start3A_146 = arith.constant 0 : i32
      %dma_start3A_147 = arith.constant 0 : i32
      %dma_start3A_148 = tpu.memref_slice %arg3[%dma_start3A_146, %dma_start3A_147] : memref<2000000x64xf32, #tpu.memory_space<hbm>> -> memref<8x64xf32, #tpu.memory_space<hbm>>
      %dma_start3A_149 = arith.constant 0 : i32
      %dma_start3A_150 = arith.constant 0 : i32
      %dma_start3A_151 = tpu.memref_slice %arg6[%run_scoped3A, %dma_start3A_149, %dma_start3A_150] : memref<4x200x64xf32, #tpu.memory_space<vmem>> -> memref<1x8x64xf32, #tpu.memory_space<vmem>>
      %dma_start3A_152 = tpu.memref_squeeze %dma_start3A_151 : memref<1x8x64xf32, #tpu.memory_space<vmem>> -> memref<8x64xf32, #tpu.memory_space<vmem>>
      %dma_start3A_153 = arith.constant 0 : i32
      %dma_start3A_154 = arith.constant 0 : i32
      %dma_start3A_155 = tpu.memref_slice %arg3[%dma_start3A_153, %dma_start3A_154] : memref<2000000x64xf32, #tpu.memory_space<hbm>> -> memref<8x64xf32, #tpu.memory_space<hbm>>
      tpu.enqueue_dma source(%dma_start3A_155 : memref<8x64xf32, #tpu.memory_space<hbm>>) target(%dma_start3A_152 : memref<8x64xf32, #tpu.memory_space<vmem>>) target_semaphore(%run_scoped3A_141 : memref<!tpu.dma_semaphore, #tpu.memory_space<semaphore_mem>>)
      %dma_wait3A_156 = arith.constant 0 : i32
      %dma_wait3A_157 = arith.constant 0 : i32
      %dma_wait3A_158 = tpu.memref_slice %arg6[%run_scoped3A, %dma_wait3A_156, %dma_wait3A_157] : memref<4x200x64xf32, #tpu.memory_space<vmem>> -> memref<1x8x64xf32, #tpu.memory_space<vmem>>
      %dma_wait3A_159 = tpu.memref_squeeze %dma_wait3A_158 : memref<1x8x64xf32, #tpu.memory_space<vmem>> -> memref<8x64xf32, #tpu.memory_space<vmem>>
      %dma_wait3A_160 = arith.constant 0 : i32
      %dma_wait3A_161 = arith.constant 0 : i32
      %dma_wait3A_162 = tpu.memref_slice %arg3[%dma_wait3A_160, %dma_wait3A_161] : memref<2000000x64xf32, #tpu.memory_space<hbm>> -> memref<8x64xf32, #tpu.memory_space<hbm>>
      %dma_wait3A_163 = arith.constant 0 : i32
      %dma_wait3A_164 = arith.constant 0 : i32
      %dma_wait3A_165 = tpu.memref_slice %arg6[%run_scoped3A, %dma_wait3A_163, %dma_wait3A_164] : memref<4x200x64xf32, #tpu.memory_space<vmem>> -> memref<1x8x64xf32, #tpu.memory_space<vmem>>
      %dma_wait3A_166 = tpu.memref_squeeze %dma_wait3A_165 : memref<1x8x64xf32, #tpu.memory_space<vmem>> -> memref<8x64xf32, #tpu.memory_space<vmem>>
      %dma_wait3A_167 = arith.constant 0 : i32
      %dma_wait3A_168 = arith.constant 0 : i32
      %dma_wait3A_169 = tpu.memref_slice %arg3[%dma_wait3A_167, %dma_wait3A_168] : memref<2000000x64xf32, #tpu.memory_space<hbm>> -> memref<8x64xf32, #tpu.memory_space<hbm>>
      tpu.wait_dma2 semaphore(%run_scoped3A_141 : memref<!tpu.dma_semaphore, #tpu.memory_space<semaphore_mem>>) src(%dma_wait3A_169 : memref<8x64xf32, #tpu.memory_space<hbm>>) dst(%dma_wait3A_166 : memref<8x64xf32, #tpu.memory_space<vmem>>)
      tpu.yield
    }) : () -> ()
    %run_scoped3A_3 = arith.constant 1 : i32
    "tpu.region"() ({
      %run_scoped3A_141 = tpu.sem_alloc : memref<!tpu.dma_semaphore, #tpu.memory_space<semaphore_mem>>
      %dma_start3A_142 = arith.constant 0 : i32
      %dma_start3A_143 = arith.constant 0 : i32
      %dma_start3A_144 = tpu.memref_slice %arg6[%run_scoped3A_3, %dma_start3A_142, %dma_start3A_143] : memref<4x200x64xf32, #tpu.memory_space<vmem>> -> memref<1x8x64xf32, #tpu.memory_space<vmem>>
      %dma_start3A_145 = tpu.memref_squeeze %dma_start3A_144 : memref<1x8x64xf32, #tpu.memory_space<vmem>> -> memref<8x64xf32, #tpu.memory_space<vmem>>
      %dma_start3A_146 = arith.constant 0 : i32
      %dma_start3A_147 = arith.constant 0 : i32
      %dma_start3A_148 = tpu.memref_slice %arg3[%dma_start3A_146, %dma_start3A_147] : memref<2000000x64xf32, #tpu.memory_space<hbm>> -> memref<8x64xf32, #tpu.memory_space<hbm>>
      %dma_start3A_149 = arith.constant 0 : i32
      %dma_start3A_150 = arith.constant 0 : i32
      %dma_start3A_151 = tpu.memref_slice %arg6[%run_scoped3A_3, %dma_start3A_149, %dma_start3A_150] : memref<4x200x64xf32, #tpu.memory_space<vmem>> -> memref<1x8x64xf32, #tpu.memory_space<vmem>>
      %dma_start3A_152 = tpu.memref_squeeze %dma_start3A_151 : memref<1x8x64xf32, #tpu.memory_space<vmem>> -> memref<8x64xf32, #tpu.memory_space<vmem>>
      %dma_start3A_153 = arith.constant 0 : i32
      %dma_start3A_154 = arith.constant 0 : i32
      %dma_start3A_155 = tpu.memref_slice %arg3[%dma_start3A_153, %dma_start3A_154] : memref<2000000x64xf32, #tpu.memory_space<hbm>> -> memref<8x64xf32, #tpu.memory_space<hbm>>
      tpu.enqueue_dma source(%dma_start3A_155 : memref<8x64xf32, #tpu.memory_space<hbm>>) target(%dma_start3A_152 : memref<8x64xf32, #tpu.memory_space<vmem>>) target_semaphore(%run_scoped3A_141 : memref<!tpu.dma_semaphore, #tpu.memory_space<semaphore_mem>>)
      %dma_wait3A_156 = arith.constant 0 : i32
      %dma_wait3A_157 = arith.constant 0 : i32
      %dma_wait3A_158 = tpu.memref_slice %arg6[%run_scoped3A_3, %dma_wait3A_156, %dma_wait3A_157] : memref<4x200x64xf32, #tpu.memory_space<vmem>> -> memref<1x8x64xf32, #tpu.memory_space<vmem>>
      %dma_wait3A_159 = tpu.memref_squeeze %dma_wait3A_158 : memref<1x8x64xf32, #tpu.memory_space<vmem>> -> memref<8x64xf32, #tpu.memory_space<vmem>>
      %dma_wait3A_160 = arith.constant 0 : i32
      %dma_wait3A_161 = arith.constant 0 : i32
      %dma_wait3A_162 = tpu.memref_slice %arg3[%dma_wait3A_160, %dma_wait3A_161] : memref<2000000x64xf32, #tpu.memory_space<hbm>> -> memref<8x64xf32, #tpu.memory_space<hbm>>
      %dma_wait3A_163 = arith.constant 0 : i32
      %dma_wait3A_164 = arith.constant 0 : i32
      %dma_wait3A_165 = tpu.memref_slice %arg6[%run_scoped3A_3, %dma_wait3A_163, %dma_wait3A_164] : memref<4x200x64xf32, #tpu.memory_space<vmem>> -> memref<1x8x64xf32, #tpu.memory_space<vmem>>
      %dma_wait3A_166 = tpu.memref_squeeze %dma_wait3A_165 : memref<1x8x64xf32, #tpu.memory_space<vmem>> -> memref<8x64xf32, #tpu.memory_space<vmem>>
      %dma_wait3A_167 = arith.constant 0 : i32
      %dma_wait3A_168 = arith.constant 0 : i32
      %dma_wait3A_169 = tpu.memref_slice %arg3[%dma_wait3A_167, %dma_wait3A_168] : memref<2000000x64xf32, #tpu.memory_space<hbm>> -> memref<8x64xf32, #tpu.memory_space<hbm>>
      tpu.wait_dma2 semaphore(%run_scoped3A_141 : memref<!tpu.dma_semaphore, #tpu.memory_space<semaphore_mem>>) src(%dma_wait3A_169 : memref<8x64xf32, #tpu.memory_space<hbm>>) dst(%dma_wait3A_166 : memref<8x64xf32, #tpu.memory_space<vmem>>)
      tpu.yield
    }) : () -> ()
    %run_scoped3A_4 = arith.constant 2 : i32
    "tpu.region"() ({
      %run_scoped3A_141 = tpu.sem_alloc : memref<!tpu.dma_semaphore, #tpu.memory_space<semaphore_mem>>
      %dma_start3A_142 = arith.constant 0 : i32
      %dma_start3A_143 = arith.constant 0 : i32
      %dma_start3A_144 = tpu.memref_slice %arg6[%run_scoped3A_4, %dma_start3A_142, %dma_start3A_143] : memref<4x200x64xf32, #tpu.memory_space<vmem>> -> memref<1x8x64xf32, #tpu.memory_space<vmem>>
      %dma_start3A_145 = tpu.memref_squeeze %dma_start3A_144 : memref<1x8x64xf32, #tpu.memory_space<vmem>> -> memref<8x64xf32, #tpu.memory_space<vmem>>
      %dma_start3A_146 = arith.constant 0 : i32
      %dma_start3A_147 = arith.constant 0 : i32
      %dma_start3A_148 = tpu.memref_slice %arg3[%dma_start3A_146, %dma_start3A_147] : memref<2000000x64xf32, #tpu.memory_space<hbm>> -> memref<8x64xf32, #tpu.memory_space<hbm>>
      %dma_start3A_149 = arith.constant 0 : i32
      %dma_start3A_150 = arith.constant 0 : i32
      %dma_start3A_151 = tpu.memref_slice %arg6[%run_scoped3A_4, %dma_start3A_149, %dma_start3A_150] : memref<4x200x64xf32, #tpu.memory_space<vmem>> -> memref<1x8x64xf32, #tpu.memory_space<vmem>>
      %dma_start3A_152 = tpu.memref_squeeze %dma_start3A_151 : memref<1x8x64xf32, #tpu.memory_space<vmem>> -> memref<8x64xf32, #tpu.memory_space<vmem>>
      %dma_start3A_153 = arith.constant 0 : i32
      %dma_start3A_154 = arith.constant 0 : i32
      %dma_start3A_155 = tpu.memref_slice %arg3[%dma_start3A_153, %dma_start3A_154] : memref<2000000x64xf32, #tpu.memory_space<hbm>> -> memref<8x64xf32, #tpu.memory_space<hbm>>
      tpu.enqueue_dma source(%dma_start3A_155 : memref<8x64xf32, #tpu.memory_space<hbm>>) target(%dma_start3A_152 : memref<8x64xf32, #tpu.memory_space<vmem>>) target_semaphore(%run_scoped3A_141 : memref<!tpu.dma_semaphore, #tpu.memory_space<semaphore_mem>>)
      %dma_wait3A_156 = arith.constant 0 : i32
      %dma_wait3A_157 = arith.constant 0 : i32
      %dma_wait3A_158 = tpu.memref_slice %arg6[%run_scoped3A_4, %dma_wait3A_156, %dma_wait3A_157] : memref<4x200x64xf32, #tpu.memory_space<vmem>> -> memref<1x8x64xf32, #tpu.memory_space<vmem>>
      %dma_wait3A_159 = tpu.memref_squeeze %dma_wait3A_158 : memref<1x8x64xf32, #tpu.memory_space<vmem>> -> memref<8x64xf32, #tpu.memory_space<vmem>>
      %dma_wait3A_160 = arith.constant 0 : i32
      %dma_wait3A_161 = arith.constant 0 : i32
      %dma_wait3A_162 = tpu.memref_slice %arg3[%dma_wait3A_160, %dma_wait3A_161] : memref<2000000x64xf32, #tpu.memory_space<hbm>> -> memref<8x64xf32, #tpu.memory_space<hbm>>
      %dma_wait3A_163 = arith.constant 0 : i32
      %dma_wait3A_164 = arith.constant 0 : i32
      %dma_wait3A_165 = tpu.memref_slice %arg6[%run_scoped3A_4, %dma_wait3A_163, %dma_wait3A_164] : memref<4x200x64xf32, #tpu.memory_space<vmem>> -> memref<1x8x64xf32, #tpu.memory_space<vmem>>
      %dma_wait3A_166 = tpu.memref_squeeze %dma_wait3A_165 : memref<1x8x64xf32, #tpu.memory_space<vmem>> -> memref<8x64xf32, #tpu.memory_space<vmem>>
      %dma_wait3A_167 = arith.constant 0 : i32
      %dma_wait3A_168 = arith.constant 0 : i32
      %dma_wait3A_169 = tpu.memref_slice %arg3[%dma_wait3A_167, %dma_wait3A_168] : memref<2000000x64xf32, #tpu.memory_space<hbm>> -> memref<8x64xf32, #tpu.memory_space<hbm>>
      tpu.wait_dma2 semaphore(%run_scoped3A_141 : memref<!tpu.dma_semaphore, #tpu.memory_space<semaphore_mem>>) src(%dma_wait3A_169 : memref<8x64xf32, #tpu.memory_space<hbm>>) dst(%dma_wait3A_166 : memref<8x64xf32, #tpu.memory_space<vmem>>)
      tpu.yield
    }) : () -> ()
    %run_scoped3A_5 = arith.constant 3 : i32
    "tpu.region"() ({
      %run_scoped3A_141 = tpu.sem_alloc : memref<!tpu.dma_semaphore, #tpu.memory_space<semaphore_mem>>
      %dma_start3A_142 = arith.constant 0 : i32
      %dma_start3A_143 = arith.constant 0 : i32
      %dma_start3A_144 = tpu.memref_slice %arg6[%run_scoped3A_5, %dma_start3A_142, %dma_start3A_143] : memref<4x200x64xf32, #tpu.memory_space<vmem>> -> memref<1x8x64xf32, #tpu.memory_space<vmem>>
      %dma_start3A_145 = tpu.memref_squeeze %dma_start3A_144 : memref<1x8x64xf32, #tpu.memory_space<vmem>> -> memref<8x64xf32, #tpu.memory_space<vmem>>
      %dma_start3A_146 = arith.constant 0 : i32
      %dma_start3A_147 = arith.constant 0 : i32
      %dma_start3A_148 = tpu.memref_slice %arg3[%dma_start3A_146, %dma_start3A_147] : memref<2000000x64xf32, #tpu.memory_space<hbm>> -> memref<8x64xf32, #tpu.memory_space<hbm>>
      %dma_start3A_149 = arith.constant 0 : i32
      %dma_start3A_150 = arith.constant 0 : i32
      %dma_start3A_151 = tpu.memref_slice %arg6[%run_scoped3A_5, %dma_start3A_149, %dma_start3A_150] : memref<4x200x64xf32, #tpu.memory_space<vmem>> -> memref<1x8x64xf32, #tpu.memory_space<vmem>>
      %dma_start3A_152 = tpu.memref_squeeze %dma_start3A_151 : memref<1x8x64xf32, #tpu.memory_space<vmem>> -> memref<8x64xf32, #tpu.memory_space<vmem>>
      %dma_start3A_153 = arith.constant 0 : i32
      %dma_start3A_154 = arith.constant 0 : i32
      %dma_start3A_155 = tpu.memref_slice %arg3[%dma_start3A_153, %dma_start3A_154] : memref<2000000x64xf32, #tpu.memory_space<hbm>> -> memref<8x64xf32, #tpu.memory_space<hbm>>
      tpu.enqueue_dma source(%dma_start3A_155 : memref<8x64xf32, #tpu.memory_space<hbm>>) target(%dma_start3A_152 : memref<8x64xf32, #tpu.memory_space<vmem>>) target_semaphore(%run_scoped3A_141 : memref<!tpu.dma_semaphore, #tpu.memory_space<semaphore_mem>>)
      %dma_wait3A_156 = arith.constant 0 : i32
      %dma_wait3A_157 = arith.constant 0 : i32
      %dma_wait3A_158 = tpu.memref_slice %arg6[%run_scoped3A_5, %dma_wait3A_156, %dma_wait3A_157] : memref<4x200x64xf32, #tpu.memory_space<vmem>> -> memref<1x8x64xf32, #tpu.memory_space<vmem>>
      %dma_wait3A_159 = tpu.memref_squeeze %dma_wait3A_158 : memref<1x8x64xf32, #tpu.memory_space<vmem>> -> memref<8x64xf32, #tpu.memory_space<vmem>>
      %dma_wait3A_160 = arith.constant 0 : i32
      %dma_wait3A_161 = arith.constant 0 : i32
      %dma_wait3A_162 = tpu.memref_slice %arg3[%dma_wait3A_160, %dma_wait3A_161] : memref<2000000x64xf32, #tpu.memory_space<hbm>> -> memref<8x64xf32, #tpu.memory_space<hbm>>
      %dma_wait3A_163 = arith.constant 0 : i32
      %dma_wait3A_164 = arith.constant 0 : i32
      %dma_wait3A_165 = tpu.memref_slice %arg6[%run_scoped3A_5, %dma_wait3A_163, %dma_wait3A_164] : memref<4x200x64xf32, #tpu.memory_space<vmem>> -> memref<1x8x64xf32, #tpu.memory_space<vmem>>
      %dma_wait3A_166 = tpu.memref_squeeze %dma_wait3A_165 : memref<1x8x64xf32, #tpu.memory_space<vmem>> -> memref<8x64xf32, #tpu.memory_space<vmem>>
      %dma_wait3A_167 = arith.constant 0 : i32
      %dma_wait3A_168 = arith.constant 0 : i32
      %dma_wait3A_169 = tpu.memref_slice %arg3[%dma_wait3A_167, %dma_wait3A_168] : memref<2000000x64xf32, #tpu.memory_space<hbm>> -> memref<8x64xf32, #tpu.memory_space<hbm>>
      tpu.wait_dma2 semaphore(%run_scoped3A_141 : memref<!tpu.dma_semaphore, #tpu.memory_space<semaphore_mem>>) src(%dma_wait3A_169 : memref<8x64xf32, #tpu.memory_space<hbm>>) dst(%dma_wait3A_166 : memref<8x64xf32, #tpu.memory_space<vmem>>)
      tpu.yield
    }) : () -> ()
    %dma_start3A = arith.constant 0 : i32
    %dma_start3A_6 = arith.constant 1 : i32
    %dma_start3A_7 = arith.constant 0 : i32
    %dma_start3A_8 = tpu.memref_slice %arg6[%dma_start3A, %dma_start3A_6, %dma_start3A_7] : memref<4x200x64xf32, #tpu.memory_space<vmem>> -> memref<1x128x64xf32, #tpu.memory_space<vmem>>
    %dma_start3A_9 = tpu.memref_squeeze %dma_start3A_8 : memref<1x128x64xf32, #tpu.memory_space<vmem>> -> memref<128x64xf32, #tpu.memory_space<vmem>>
    %dma_start3A_10 = arith.constant 0 : i32
    %dma_start3A_11 = tpu.memref_slice %arg5[%dma_start3A_10] : memref<25600xi32, #tpu.memory_space<vmem>> -> memref<128xi32, #tpu.memory_space<vmem>>
    %dma_start3A_12 = arith.constant 0 : i32
    %dma_start3A_13 = arith.constant 0 : i32
    %dma_start3A_14 = tpu.memref_slice %arg3[%dma_start3A_12, %dma_start3A_13] : memref<2000000x64xf32, #tpu.memory_space<hbm>> -> memref<2000000x64xf32, #tpu.memory_space<hbm>>
    tpu.enqueue_indirect_dma source(%dma_start3A_14 : memref<2000000x64xf32, #tpu.memory_space<hbm>>) target(%dma_start3A_9 : memref<128x64xf32, #tpu.memory_space<vmem>>) offsets(%dma_start3A_11 : memref<128xi32, #tpu.memory_space<vmem>>) semaphore(%arg7 : memref<!tpu.dma_semaphore, #tpu.memory_space<semaphore_mem>>)
    %dma_start3A_15 = arith.constant 0 : i32
    %dma_start3A_16 = arith.constant 129 : i32
    %dma_start3A_17 = arith.constant 0 : i32
    %dma_start3A_18 = tpu.memref_slice %arg6[%dma_start3A_15, %dma_start3A_16, %dma_start3A_17] : memref<4x200x64xf32, #tpu.memory_space<vmem>> -> memref<1x71x64xf32, #tpu.memory_space<vmem>>
    %dma_start3A_19 = tpu.memref_squeeze %dma_start3A_18 : memref<1x71x64xf32, #tpu.memory_space<vmem>> -> memref<71x64xf32, #tpu.memory_space<vmem>>
    %dma_start3A_20 = arith.constant 128 : i32
    %dma_start3A_21 = tpu.memref_slice %arg5[%dma_start3A_20] : memref<25600xi32, #tpu.memory_space<vmem>> -> memref<71xi32, #tpu.memory_space<vmem>>
    %dma_start3A_22 = arith.constant 0 : i32
    %dma_start3A_23 = arith.constant 0 : i32
    %dma_start3A_24 = tpu.memref_slice %arg3[%dma_start3A_22, %dma_start3A_23] : memref<2000000x64xf32, #tpu.memory_space<hbm>> -> memref<2000000x64xf32, #tpu.memory_space<hbm>>
    tpu.enqueue_indirect_dma source(%dma_start3A_24 : memref<2000000x64xf32, #tpu.memory_space<hbm>>) target(%dma_start3A_19 : memref<71x64xf32, #tpu.memory_space<vmem>>) offsets(%dma_start3A_21 : memref<71xi32, #tpu.memory_space<vmem>>) semaphore(%arg7 : memref<!tpu.dma_semaphore, #tpu.memory_space<semaphore_mem>>)
    %dma_start3A_25 = arith.constant 1 : i32
    %dma_start3A_26 = arith.constant 1 : i32
    %dma_start3A_27 = arith.constant 0 : i32
    %dma_start3A_28 = tpu.memref_slice %arg6[%dma_start3A_25, %dma_start3A_26, %dma_start3A_27] : memref<4x200x64xf32, #tpu.memory_space<vmem>> -> memref<1x128x64xf32, #tpu.memory_space<vmem>>
    %dma_start3A_29 = tpu.memref_squeeze %dma_start3A_28 : memref<1x128x64xf32, #tpu.memory_space<vmem>> -> memref<128x64xf32, #tpu.memory_space<vmem>>
    %dma_start3A_30 = arith.constant 200 : i32
    %dma_start3A_31 = tpu.memref_slice %arg5[%dma_start3A_30] : memref<25600xi32, #tpu.memory_space<vmem>> -> memref<128xi32, #tpu.memory_space<vmem>>
    %dma_start3A_32 = arith.constant 0 : i32
    %dma_start3A_33 = arith.constant 0 : i32
    %dma_start3A_34 = tpu.memref_slice %arg3[%dma_start3A_32, %dma_start3A_33] : memref<2000000x64xf32, #tpu.memory_space<hbm>> -> memref<2000000x64xf32, #tpu.memory_space<hbm>>
    tpu.enqueue_indirect_dma source(%dma_start3A_34 : memref<2000000x64xf32, #tpu.memory_space<hbm>>) target(%dma_start3A_29 : memref<128x64xf32, #tpu.memory_space<vmem>>) offsets(%dma_start3A_31 : memref<128xi32, #tpu.memory_space<vmem>>) semaphore(%arg8 : memref<!tpu.dma_semaphore, #tpu.memory_space<semaphore_mem>>)
    %dma_start3A_35 = arith.constant 1 : i32
    %dma_start3A_36 = arith.constant 129 : i32
    %dma_start3A_37 = arith.constant 0 : i32
    %dma_start3A_38 = tpu.memref_slice %arg6[%dma_start3A_35, %dma_start3A_36, %dma_start3A_37] : memref<4x200x64xf32, #tpu.memory_space<vmem>> -> memref<1x71x64xf32, #tpu.memory_space<vmem>>
    %dma_start3A_39 = tpu.memref_squeeze %dma_start3A_38 : memref<1x71x64xf32, #tpu.memory_space<vmem>> -> memref<71x64xf32, #tpu.memory_space<vmem>>
    %dma_start3A_40 = arith.constant 328 : i32
    %dma_start3A_41 = tpu.memref_slice %arg5[%dma_start3A_40] : memref<25600xi32, #tpu.memory_space<vmem>> -> memref<71xi32, #tpu.memory_space<vmem>>
    %dma_start3A_42 = arith.constant 0 : i32
    %dma_start3A_43 = arith.constant 0 : i32
    %dma_start3A_44 = tpu.memref_slice %arg3[%dma_start3A_42, %dma_start3A_43] : memref<2000000x64xf32, #tpu.memory_space<hbm>> -> memref<2000000x64xf32, #tpu.memory_space<hbm>>
    tpu.enqueue_indirect_dma source(%dma_start3A_44 : memref<2000000x64xf32, #tpu.memory_space<hbm>>) target(%dma_start3A_39 : memref<71x64xf32, #tpu.memory_space<vmem>>) offsets(%dma_start3A_41 : memref<71xi32, #tpu.memory_space<vmem>>) semaphore(%arg8 : memref<!tpu.dma_semaphore, #tpu.memory_space<semaphore_mem>>)
    %dma_start3A_45 = arith.constant 2 : i32
    %dma_start3A_46 = arith.constant 1 : i32
    %dma_start3A_47 = arith.constant 0 : i32
    %dma_start3A_48 = tpu.memref_slice %arg6[%dma_start3A_45, %dma_start3A_46, %dma_start3A_47] : memref<4x200x64xf32, #tpu.memory_space<vmem>> -> memref<1x128x64xf32, #tpu.memory_space<vmem>>
    %dma_start3A_49 = tpu.memref_squeeze %dma_start3A_48 : memref<1x128x64xf32, #tpu.memory_space<vmem>> -> memref<128x64xf32, #tpu.memory_space<vmem>>
    %dma_start3A_50 = arith.constant 400 : i32
    %dma_start3A_51 = tpu.memref_slice %arg5[%dma_start3A_50] : memref<25600xi32, #tpu.memory_space<vmem>> -> memref<128xi32, #tpu.memory_space<vmem>>
    %dma_start3A_52 = arith.constant 0 : i32
    %dma_start3A_53 = arith.constant 0 : i32
    %dma_start3A_54 = tpu.memref_slice %arg3[%dma_start3A_52, %dma_start3A_53] : memref<2000000x64xf32, #tpu.memory_space<hbm>> -> memref<2000000x64xf32, #tpu.memory_space<hbm>>
    tpu.enqueue_indirect_dma source(%dma_start3A_54 : memref<2000000x64xf32, #tpu.memory_space<hbm>>) target(%dma_start3A_49 : memref<128x64xf32, #tpu.memory_space<vmem>>) offsets(%dma_start3A_51 : memref<128xi32, #tpu.memory_space<vmem>>) semaphore(%arg9 : memref<!tpu.dma_semaphore, #tpu.memory_space<semaphore_mem>>)
    %dma_start3A_55 = arith.constant 2 : i32
    %dma_start3A_56 = arith.constant 129 : i32
    %dma_start3A_57 = arith.constant 0 : i32
    %dma_start3A_58 = tpu.memref_slice %arg6[%dma_start3A_55, %dma_start3A_56, %dma_start3A_57] : memref<4x200x64xf32, #tpu.memory_space<vmem>> -> memref<1x71x64xf32, #tpu.memory_space<vmem>>
    %dma_start3A_59 = tpu.memref_squeeze %dma_start3A_58 : memref<1x71x64xf32, #tpu.memory_space<vmem>> -> memref<71x64xf32, #tpu.memory_space<vmem>>
    %dma_start3A_60 = arith.constant 528 : i32
    %dma_start3A_61 = tpu.memref_slice %arg5[%dma_start3A_60] : memref<25600xi32, #tpu.memory_space<vmem>> -> memref<71xi32, #tpu.memory_space<vmem>>
    %dma_start3A_62 = arith.constant 0 : i32
    %dma_start3A_63 = arith.constant 0 : i32
    %dma_start3A_64 = tpu.memref_slice %arg3[%dma_start3A_62, %dma_start3A_63] : memref<2000000x64xf32, #tpu.memory_space<hbm>> -> memref<2000000x64xf32, #tpu.memory_space<hbm>>
    tpu.enqueue_indirect_dma source(%dma_start3A_64 : memref<2000000x64xf32, #tpu.memory_space<hbm>>) target(%dma_start3A_59 : memref<71x64xf32, #tpu.memory_space<vmem>>) offsets(%dma_start3A_61 : memref<71xi32, #tpu.memory_space<vmem>>) semaphore(%arg9 : memref<!tpu.dma_semaphore, #tpu.memory_space<semaphore_mem>>)
    %scan3A = arith.constant 0 : i32
    %scan3A_65 = arith.constant 0 : i32
    %scan3A_66 = arith.constant 32 : i32
    %scan3A_67 = arith.addi %scan3A_65, %scan3A_66 : i32
    %scan3A_68 = arith.constant 1 : i32
    scf.for %scan3A_141 = %scan3A_65 to %scan3A_67 step %scan3A_68  : i32 {
      %mul3A_142 = arith.constant 4 : i32
      %mul3A_143 = arith.muli %scan3A_141, %mul3A_142 : i32
      %add3A_144 = arith.constant 0 : i32
      %add3A_145 = arith.addi %mul3A_143, %add3A_144 : i32
      %dma_wait3A_146 = arith.constant 0 : i32
      %dma_wait3A_147 = arith.constant 1 : i32
      %dma_wait3A_148 = arith.constant 0 : i32
      %dma_wait3A_149 = tpu.memref_slice %arg6[%dma_wait3A_146, %dma_wait3A_147, %dma_wait3A_148] : memref<4x200x64xf32, #tpu.memory_space<vmem>> -> memref<1x128x64xf32, #tpu.memory_space<vmem>>
      %dma_wait3A_150 = tpu.memref_squeeze %dma_wait3A_149 : memref<1x128x64xf32, #tpu.memory_space<vmem>> -> memref<128x64xf32, #tpu.memory_space<vmem>>
      %dma_wait3A_151 = arith.constant 0 : i32
      %dma_wait3A_152 = tpu.memref_slice %arg5[%dma_wait3A_151] : memref<25600xi32, #tpu.memory_space<vmem>> -> memref<128xi32, #tpu.memory_space<vmem>>
      %dma_wait3A_153 = arith.constant 0 : i32
      %dma_wait3A_154 = arith.constant 0 : i32
      %dma_wait3A_155 = tpu.memref_slice %arg3[%dma_wait3A_153, %dma_wait3A_154] : memref<2000000x64xf32, #tpu.memory_space<hbm>> -> memref<2000000x64xf32, #tpu.memory_space<hbm>>
      tpu.wait_indirect_dma semaphore(%arg7 : memref<!tpu.dma_semaphore, #tpu.memory_space<semaphore_mem>>) src(%dma_wait3A_155 : memref<2000000x64xf32, #tpu.memory_space<hbm>>) dst(%dma_wait3A_150 : memref<128x64xf32, #tpu.memory_space<vmem>>)
      %dma_wait3A_156 = arith.constant 0 : i32
      %dma_wait3A_157 = arith.constant 129 : i32
      %dma_wait3A_158 = arith.constant 0 : i32
      %dma_wait3A_159 = tpu.memref_slice %arg6[%dma_wait3A_156, %dma_wait3A_157, %dma_wait3A_158] : memref<4x200x64xf32, #tpu.memory_space<vmem>> -> memref<1x71x64xf32, #tpu.memory_space<vmem>>
      %dma_wait3A_160 = tpu.memref_squeeze %dma_wait3A_159 : memref<1x71x64xf32, #tpu.memory_space<vmem>> -> memref<71x64xf32, #tpu.memory_space<vmem>>
      %dma_wait3A_161 = arith.constant 128 : i32
      %dma_wait3A_162 = tpu.memref_slice %arg5[%dma_wait3A_161] : memref<25600xi32, #tpu.memory_space<vmem>> -> memref<71xi32, #tpu.memory_space<vmem>>
      %dma_wait3A_163 = arith.constant 0 : i32
      %dma_wait3A_164 = arith.constant 0 : i32
      %dma_wait3A_165 = tpu.memref_slice %arg3[%dma_wait3A_163, %dma_wait3A_164] : memref<2000000x64xf32, #tpu.memory_space<hbm>> -> memref<2000000x64xf32, #tpu.memory_space<hbm>>
      tpu.wait_indirect_dma semaphore(%arg7 : memref<!tpu.dma_semaphore, #tpu.memory_space<semaphore_mem>>) src(%dma_wait3A_165 : memref<2000000x64xf32, #tpu.memory_space<hbm>>) dst(%dma_wait3A_160 : memref<71x64xf32, #tpu.memory_space<vmem>>)
      %mul3A_166 = arith.constant 128 : i32
      %mul3A_167 = arith.muli %add3A, %mul3A_166 : i32
      %add3A_168 = arith.addi %mul3A_167, %add3A_145 : i32
      %dma_start3A_169 = arith.constant 0 : i32
      %dma_start3A_170 = arith.constant 0 : i32
      %dma_start3A_171 = arith.constant 0 : i32
      %dma_start3A_172 = tpu.memref_slice %arg6[%dma_start3A_169, %dma_start3A_170, %dma_start3A_171] : memref<4x200x64xf32, #tpu.memory_space<vmem>> -> memref<1x200x64xf32, #tpu.memory_space<vmem>>
      %dma_start3A_173 = tpu.memref_squeeze %dma_start3A_172 : memref<1x200x64xf32, #tpu.memory_space<vmem>> -> memref<200x64xf32, #tpu.memory_space<vmem>>
      %dma_start3A_174 = arith.constant 0 : i32
      %dma_start3A_175 = arith.constant 0 : i32
      %dma_start3A_176 = tpu.memref_slice %arg4[%add3A_168, %dma_start3A_174, %dma_start3A_175] : memref<4096x200x128xf32, #tpu.memory_space<hbm>> -> memref<1x200x64xf32, #tpu.memory_space<hbm>>
      %dma_start3A_177 = tpu.memref_squeeze %dma_start3A_176 : memref<1x200x64xf32, #tpu.memory_space<hbm>> -> memref<200x64xf32, #tpu.memory_space<hbm>>
      %dma_start3A_178 = arith.constant 0 : i32
      %dma_start3A_179 = arith.constant 0 : i32
      %dma_start3A_180 = tpu.memref_slice %arg4[%add3A_168, %dma_start3A_178, %dma_start3A_179] : memref<4096x200x128xf32, #tpu.memory_space<hbm>> -> memref<1x200x64xf32, #tpu.memory_space<hbm>>
      %dma_start3A_181 = tpu.memref_squeeze %dma_start3A_180 : memref<1x200x64xf32, #tpu.memory_space<hbm>> -> memref<200x64xf32, #tpu.memory_space<hbm>>
      %dma_start3A_182 = arith.constant 0 : i32
      %dma_start3A_183 = arith.constant 0 : i32
      %dma_start3A_184 = tpu.memref_slice %arg6[%dma_start3A_169, %dma_start3A_182, %dma_start3A_183] : memref<4x200x64xf32, #tpu.memory_space<vmem>> -> memref<1x200x64xf32, #tpu.memory_space<vmem>>
      %dma_start3A_185 = tpu.memref_squeeze %dma_start3A_184 : memref<1x200x64xf32, #tpu.memory_space<vmem>> -> memref<200x64xf32, #tpu.memory_space<vmem>>
      tpu.enqueue_dma source(%dma_start3A_185 : memref<200x64xf32, #tpu.memory_space<vmem>>) target(%dma_start3A_181 : memref<200x64xf32, #tpu.memory_space<hbm>>) target_semaphore(%arg11 : memref<!tpu.dma_semaphore, #tpu.memory_space<semaphore_mem>>)
      %add3A_186 = arith.constant 4 : i32
      %add3A_187 = arith.addi %add3A_145, %add3A_186 : i32
      %sub3A = arith.constant 1 : i32
      %sub3A_188 = arith.subi %add3A_187, %sub3A : i32
      %lt3A = arith.constant 128 : i32
      %lt3A_189 = arith.cmpi slt, %sub3A_188, %lt3A : i32
      %convert_element_type3A = arith.extui %lt3A_189 : i1 to i32
      %cond3A = arith.constant 0 : i32
      %cond3A_190 = arith.cmpi ne, %convert_element_type3A, %cond3A : i32
      scf.if %cond3A_190 {
        %ge3A = arith.constant 1 : i32
        %ge3A_350 = arith.cmpi sge, %add3A_145, %ge3A : i32
        %convert_element_type3A_351 = arith.extui %ge3A_350 : i1 to i32
        %cond3A_352 = arith.constant 0 : i32
        %cond3A_353 = arith.cmpi ne, %convert_element_type3A_351, %cond3A_352 : i32
        scf.if %cond3A_353 {
          %dma_wait3A_380 = arith.constant 3 : i32
          %dma_wait3A_381 = arith.constant 0 : i32
          %dma_wait3A_382 = arith.constant 0 : i32
          %dma_wait3A_383 = arith.constant 0 : i32
          %dma_wait3A_384 = tpu.memref_slice %arg6[%dma_wait3A_380, %dma_wait3A_382, %dma_wait3A_383] : memref<4x200x64xf32, #tpu.memory_space<vmem>> -> memref<1x200x64xf32, #tpu.memory_space<vmem>>
          %dma_wait3A_385 = tpu.memref_squeeze %dma_wait3A_384 : memref<1x200x64xf32, #tpu.memory_space<vmem>> -> memref<200x64xf32, #tpu.memory_space<vmem>>
          %dma_wait3A_386 = arith.constant 0 : i32
          %dma_wait3A_387 = arith.constant 0 : i32
          %dma_wait3A_388 = tpu.memref_slice %arg4[%dma_wait3A_381, %dma_wait3A_386, %dma_wait3A_387] : memref<4096x200x128xf32, #tpu.memory_space<hbm>> -> memref<1x200x64xf32, #tpu.memory_space<hbm>>
          %dma_wait3A_389 = tpu.memref_squeeze %dma_wait3A_388 : memref<1x200x64xf32, #tpu.memory_space<hbm>> -> memref<200x64xf32, #tpu.memory_space<hbm>>
          %dma_wait3A_390 = arith.constant 0 : i32
          %dma_wait3A_391 = arith.constant 0 : i32
          %dma_wait3A_392 = tpu.memref_slice %arg4[%dma_wait3A_381, %dma_wait3A_390, %dma_wait3A_391] : memref<4096x200x128xf32, #tpu.memory_space<hbm>> -> memref<1x200x64xf32, #tpu.memory_space<hbm>>
          %dma_wait3A_393 = tpu.memref_squeeze %dma_wait3A_392 : memref<1x200x64xf32, #tpu.memory_space<hbm>> -> memref<200x64xf32, #tpu.memory_space<hbm>>
          %dma_wait3A_394 = arith.constant 0 : i32
          %dma_wait3A_395 = arith.constant 0 : i32
          %dma_wait3A_396 = tpu.memref_slice %arg6[%dma_wait3A_380, %dma_wait3A_394, %dma_wait3A_395] : memref<4x200x64xf32, #tpu.memory_space<vmem>> -> memref<1x200x64xf32, #tpu.memory_space<vmem>>
          %dma_wait3A_397 = tpu.memref_squeeze %dma_wait3A_396 : memref<1x200x64xf32, #tpu.memory_space<vmem>> -> memref<200x64xf32, #tpu.memory_space<vmem>>
          tpu.wait_dma2 semaphore(%arg14 : memref<!tpu.dma_semaphore, #tpu.memory_space<semaphore_mem>>) src(%dma_wait3A_397 : memref<200x64xf32, #tpu.memory_space<vmem>>) dst(%dma_wait3A_393 : memref<200x64xf32, #tpu.memory_space<hbm>>)
        } else {
        }
        %add3A_354 = arith.constant 4 : i32
        %add3A_355 = arith.addi %add3A_145, %add3A_354 : i32
        %sub3A_356 = arith.constant 1 : i32
        %sub3A_357 = arith.subi %add3A_355, %sub3A_356 : i32
        %mul3A_358 = arith.constant 200 : i32
        %mul3A_359 = arith.muli %sub3A_357, %mul3A_358 : i32
        %dma_start3A_360 = arith.constant 3 : i32
        %dma_start3A_361 = arith.constant 1 : i32
        %dma_start3A_362 = arith.constant 0 : i32
        %dma_start3A_363 = tpu.memref_slice %arg6[%dma_start3A_360, %dma_start3A_361, %dma_start3A_362] : memref<4x200x64xf32, #tpu.memory_space<vmem>> -> memref<1x128x64xf32, #tpu.memory_space<vmem>>
        %dma_start3A_364 = tpu.memref_squeeze %dma_start3A_363 : memref<1x128x64xf32, #tpu.memory_space<vmem>> -> memref<128x64xf32, #tpu.memory_space<vmem>>
        %dma_start3A_365 = tpu.memref_slice %arg5[%mul3A_359] : memref<25600xi32, #tpu.memory_space<vmem>> -> memref<128xi32, #tpu.memory_space<vmem>>
        %dma_start3A_366 = arith.constant 0 : i32
        %dma_start3A_367 = arith.constant 0 : i32
        %dma_start3A_368 = tpu.memref_slice %arg3[%dma_start3A_366, %dma_start3A_367] : memref<2000000x64xf32, #tpu.memory_space<hbm>> -> memref<2000000x64xf32, #tpu.memory_space<hbm>>
        tpu.enqueue_indirect_dma source(%dma_start3A_368 : memref<2000000x64xf32, #tpu.memory_space<hbm>>) target(%dma_start3A_364 : memref<128x64xf32, #tpu.memory_space<vmem>>) offsets(%dma_start3A_365 : memref<128xi32, #tpu.memory_space<vmem>>) semaphore(%arg10 : memref<!tpu.dma_semaphore, #tpu.memory_space<semaphore_mem>>)
        %add3A_369 = arith.constant 128 : i32
        %add3A_370 = arith.addi %mul3A_359, %add3A_369 : i32
        %dma_start3A_371 = arith.constant 3 : i32
        %dma_start3A_372 = arith.constant 129 : i32
        %dma_start3A_373 = arith.constant 0 : i32
        %dma_start3A_374 = tpu.memref_slice %arg6[%dma_start3A_371, %dma_start3A_372, %dma_start3A_373] : memref<4x200x64xf32, #tpu.memory_space<vmem>> -> memref<1x71x64xf32, #tpu.memory_space<vmem>>
        %dma_start3A_375 = tpu.memref_squeeze %dma_start3A_374 : memref<1x71x64xf32, #tpu.memory_space<vmem>> -> memref<71x64xf32, #tpu.memory_space<vmem>>
        %dma_start3A_376 = tpu.memref_slice %arg5[%add3A_370] : memref<25600xi32, #tpu.memory_space<vmem>> -> memref<71xi32, #tpu.memory_space<vmem>>
        %dma_start3A_377 = arith.constant 0 : i32
        %dma_start3A_378 = arith.constant 0 : i32
        %dma_start3A_379 = tpu.memref_slice %arg3[%dma_start3A_377, %dma_start3A_378] : memref<2000000x64xf32, #tpu.memory_space<hbm>> -> memref<2000000x64xf32, #tpu.memory_space<hbm>>
        tpu.enqueue_indirect_dma source(%dma_start3A_379 : memref<2000000x64xf32, #tpu.memory_space<hbm>>) target(%dma_start3A_375 : memref<71x64xf32, #tpu.memory_space<vmem>>) offsets(%dma_start3A_376 : memref<71xi32, #tpu.memory_space<vmem>>) semaphore(%arg10 : memref<!tpu.dma_semaphore, #tpu.memory_space<semaphore_mem>>)
      } else {
      }
      %mul3A_191 = arith.constant 4 : i32
      %mul3A_192 = arith.muli %scan3A_141, %mul3A_191 : i32
      %add3A_193 = arith.constant 1 : i32
      %add3A_194 = arith.addi %mul3A_192, %add3A_193 : i32
      %dma_wait3A_195 = arith.constant 1 : i32
      %dma_wait3A_196 = arith.constant 1 : i32
      %dma_wait3A_197 = arith.constant 0 : i32
      %dma_wait3A_198 = tpu.memref_slice %arg6[%dma_wait3A_195, %dma_wait3A_196, %dma_wait3A_197] : memref<4x200x64xf32, #tpu.memory_space<vmem>> -> memref<1x128x64xf32, #tpu.memory_space<vmem>>
      %dma_wait3A_199 = tpu.memref_squeeze %dma_wait3A_198 : memref<1x128x64xf32, #tpu.memory_space<vmem>> -> memref<128x64xf32, #tpu.memory_space<vmem>>
      %dma_wait3A_200 = arith.constant 0 : i32
      %dma_wait3A_201 = tpu.memref_slice %arg5[%dma_wait3A_200] : memref<25600xi32, #tpu.memory_space<vmem>> -> memref<128xi32, #tpu.memory_space<vmem>>
      %dma_wait3A_202 = arith.constant 0 : i32
      %dma_wait3A_203 = arith.constant 0 : i32
      %dma_wait3A_204 = tpu.memref_slice %arg3[%dma_wait3A_202, %dma_wait3A_203] : memref<2000000x64xf32, #tpu.memory_space<hbm>> -> memref<2000000x64xf32, #tpu.memory_space<hbm>>
      tpu.wait_indirect_dma semaphore(%arg8 : memref<!tpu.dma_semaphore, #tpu.memory_space<semaphore_mem>>) src(%dma_wait3A_204 : memref<2000000x64xf32, #tpu.memory_space<hbm>>) dst(%dma_wait3A_199 : memref<128x64xf32, #tpu.memory_space<vmem>>)
      %dma_wait3A_205 = arith.constant 1 : i32
      %dma_wait3A_206 = arith.constant 129 : i32
      %dma_wait3A_207 = arith.constant 0 : i32
      %dma_wait3A_208 = tpu.memref_slice %arg6[%dma_wait3A_205, %dma_wait3A_206, %dma_wait3A_207] : memref<4x200x64xf32, #tpu.memory_space<vmem>> -> memref<1x71x64xf32, #tpu.memory_space<vmem>>
      %dma_wait3A_209 = tpu.memref_squeeze %dma_wait3A_208 : memref<1x71x64xf32, #tpu.memory_space<vmem>> -> memref<71x64xf32, #tpu.memory_space<vmem>>
      %dma_wait3A_210 = arith.constant 128 : i32
      %dma_wait3A_211 = tpu.memref_slice %arg5[%dma_wait3A_210] : memref<25600xi32, #tpu.memory_space<vmem>> -> memref<71xi32, #tpu.memory_space<vmem>>
      %dma_wait3A_212 = arith.constant 0 : i32
      %dma_wait3A_213 = arith.constant 0 : i32
      %dma_wait3A_214 = tpu.memref_slice %arg3[%dma_wait3A_212, %dma_wait3A_213] : memref<2000000x64xf32, #tpu.memory_space<hbm>> -> memref<2000000x64xf32, #tpu.memory_space<hbm>>
      tpu.wait_indirect_dma semaphore(%arg8 : memref<!tpu.dma_semaphore, #tpu.memory_space<semaphore_mem>>) src(%dma_wait3A_214 : memref<2000000x64xf32, #tpu.memory_space<hbm>>) dst(%dma_wait3A_209 : memref<71x64xf32, #tpu.memory_space<vmem>>)
      %mul3A_215 = arith.constant 128 : i32
      %mul3A_216 = arith.muli %add3A, %mul3A_215 : i32
      %add3A_217 = arith.addi %mul3A_216, %add3A_194 : i32
      %dma_start3A_218 = arith.constant 1 : i32
      %dma_start3A_219 = arith.constant 0 : i32
      %dma_start3A_220 = arith.constant 0 : i32
      %dma_start3A_221 = tpu.memref_slice %arg6[%dma_start3A_218, %dma_start3A_219, %dma_start3A_220] : memref<4x200x64xf32, #tpu.memory_space<vmem>> -> memref<1x200x64xf32, #tpu.memory_space<vmem>>
      %dma_start3A_222 = tpu.memref_squeeze %dma_start3A_221 : memref<1x200x64xf32, #tpu.memory_space<vmem>> -> memref<200x64xf32, #tpu.memory_space<vmem>>
      %dma_start3A_223 = arith.constant 0 : i32
      %dma_start3A_224 = arith.constant 0 : i32
      %dma_start3A_225 = tpu.memref_slice %arg4[%add3A_217, %dma_start3A_223, %dma_start3A_224] : memref<4096x200x128xf32, #tpu.memory_space<hbm>> -> memref<1x200x64xf32, #tpu.memory_space<hbm>>
      %dma_start3A_226 = tpu.memref_squeeze %dma_start3A_225 : memref<1x200x64xf32, #tpu.memory_space<hbm>> -> memref<200x64xf32, #tpu.memory_space<hbm>>
      %dma_start3A_227 = arith.constant 0 : i32
      %dma_start3A_228 = arith.constant 0 : i32
      %dma_start3A_229 = tpu.memref_slice %arg4[%add3A_217, %dma_start3A_227, %dma_start3A_228] : memref<4096x200x128xf32, #tpu.memory_space<hbm>> -> memref<1x200x64xf32, #tpu.memory_space<hbm>>
      %dma_start3A_230 = tpu.memref_squeeze %dma_start3A_229 : memref<1x200x64xf32, #tpu.memory_space<hbm>> -> memref<200x64xf32, #tpu.memory_space<hbm>>
      %dma_start3A_231 = arith.constant 0 : i32
      %dma_start3A_232 = arith.constant 0 : i32
      %dma_start3A_233 = tpu.memref_slice %arg6[%dma_start3A_218, %dma_start3A_231, %dma_start3A_232] : memref<4x200x64xf32, #tpu.memory_space<vmem>> -> memref<1x200x64xf32, #tpu.memory_space<vmem>>
      %dma_start3A_234 = tpu.memref_squeeze %dma_start3A_233 : memref<1x200x64xf32, #tpu.memory_space<vmem>> -> memref<200x64xf32, #tpu.memory_space<vmem>>
      tpu.enqueue_dma source(%dma_start3A_234 : memref<200x64xf32, #tpu.memory_space<vmem>>) target(%dma_start3A_230 : memref<200x64xf32, #tpu.memory_space<hbm>>) target_semaphore(%arg12 : memref<!tpu.dma_semaphore, #tpu.memory_space<semaphore_mem>>)
      %add3A_235 = arith.constant 4 : i32
      %add3A_236 = arith.addi %add3A_194, %add3A_235 : i32
      %sub3A_237 = arith.constant 1 : i32
      %sub3A_238 = arith.subi %add3A_236, %sub3A_237 : i32
      %lt3A_239 = arith.constant 128 : i32
      %lt3A_240 = arith.cmpi slt, %sub3A_238, %lt3A_239 : i32
      %convert_element_type3A_241 = arith.extui %lt3A_240 : i1 to i32
      %cond3A_242 = arith.constant 0 : i32
      %cond3A_243 = arith.cmpi ne, %convert_element_type3A_241, %cond3A_242 : i32
      scf.if %cond3A_243 {
        %ge3A = arith.constant 1 : i32
        %ge3A_350 = arith.cmpi sge, %add3A_194, %ge3A : i32
        %convert_element_type3A_351 = arith.extui %ge3A_350 : i1 to i32
        %cond3A_352 = arith.constant 0 : i32
        %cond3A_353 = arith.cmpi ne, %convert_element_type3A_351, %cond3A_352 : i32
        scf.if %cond3A_353 {
          %dma_wait3A_380 = arith.constant 0 : i32
          %dma_wait3A_381 = arith.constant 0 : i32
          %dma_wait3A_382 = arith.constant 0 : i32
          %dma_wait3A_383 = arith.constant 0 : i32
          %dma_wait3A_384 = tpu.memref_slice %arg6[%dma_wait3A_380, %dma_wait3A_382, %dma_wait3A_383] : memref<4x200x64xf32, #tpu.memory_space<vmem>> -> memref<1x200x64xf32, #tpu.memory_space<vmem>>
          %dma_wait3A_385 = tpu.memref_squeeze %dma_wait3A_384 : memref<1x200x64xf32, #tpu.memory_space<vmem>> -> memref<200x64xf32, #tpu.memory_space<vmem>>
          %dma_wait3A_386 = arith.constant 0 : i32
          %dma_wait3A_387 = arith.constant 0 : i32
          %dma_wait3A_388 = tpu.memref_slice %arg4[%dma_wait3A_381, %dma_wait3A_386, %dma_wait3A_387] : memref<4096x200x128xf32, #tpu.memory_space<hbm>> -> memref<1x200x64xf32, #tpu.memory_space<hbm>>
          %dma_wait3A_389 = tpu.memref_squeeze %dma_wait3A_388 : memref<1x200x64xf32, #tpu.memory_space<hbm>> -> memref<200x64xf32, #tpu.memory_space<hbm>>
          %dma_wait3A_390 = arith.constant 0 : i32
          %dma_wait3A_391 = arith.constant 0 : i32
          %dma_wait3A_392 = tpu.memref_slice %arg4[%dma_wait3A_381, %dma_wait3A_390, %dma_wait3A_391] : memref<4096x200x128xf32, #tpu.memory_space<hbm>> -> memref<1x200x64xf32, #tpu.memory_space<hbm>>
          %dma_wait3A_393 = tpu.memref_squeeze %dma_wait3A_392 : memref<1x200x64xf32, #tpu.memory_space<hbm>> -> memref<200x64xf32, #tpu.memory_space<hbm>>
          %dma_wait3A_394 = arith.constant 0 : i32
          %dma_wait3A_395 = arith.constant 0 : i32
          %dma_wait3A_396 = tpu.memref_slice %arg6[%dma_wait3A_380, %dma_wait3A_394, %dma_wait3A_395] : memref<4x200x64xf32, #tpu.memory_space<vmem>> -> memref<1x200x64xf32, #tpu.memory_space<vmem>>
          %dma_wait3A_397 = tpu.memref_squeeze %dma_wait3A_396 : memref<1x200x64xf32, #tpu.memory_space<vmem>> -> memref<200x64xf32, #tpu.memory_space<vmem>>
          tpu.wait_dma2 semaphore(%arg11 : memref<!tpu.dma_semaphore, #tpu.memory_space<semaphore_mem>>) src(%dma_wait3A_397 : memref<200x64xf32, #tpu.memory_space<vmem>>) dst(%dma_wait3A_393 : memref<200x64xf32, #tpu.memory_space<hbm>>)
        } else {
        }
        %add3A_354 = arith.constant 4 : i32
        %add3A_355 = arith.addi %add3A_194, %add3A_354 : i32
        %sub3A_356 = arith.constant 1 : i32
        %sub3A_357 = arith.subi %add3A_355, %sub3A_356 : i32
        %mul3A_358 = arith.constant 200 : i32
        %mul3A_359 = arith.muli %sub3A_357, %mul3A_358 : i32
        %dma_start3A_360 = arith.constant 0 : i32
        %dma_start3A_361 = arith.constant 1 : i32
        %dma_start3A_362 = arith.constant 0 : i32
        %dma_start3A_363 = tpu.memref_slice %arg6[%dma_start3A_360, %dma_start3A_361, %dma_start3A_362] : memref<4x200x64xf32, #tpu.memory_space<vmem>> -> memref<1x128x64xf32, #tpu.memory_space<vmem>>
        %dma_start3A_364 = tpu.memref_squeeze %dma_start3A_363 : memref<1x128x64xf32, #tpu.memory_space<vmem>> -> memref<128x64xf32, #tpu.memory_space<vmem>>
        %dma_start3A_365 = tpu.memref_slice %arg5[%mul3A_359] : memref<25600xi32, #tpu.memory_space<vmem>> -> memref<128xi32, #tpu.memory_space<vmem>>
        %dma_start3A_366 = arith.constant 0 : i32
        %dma_start3A_367 = arith.constant 0 : i32
        %dma_start3A_368 = tpu.memref_slice %arg3[%dma_start3A_366, %dma_start3A_367] : memref<2000000x64xf32, #tpu.memory_space<hbm>> -> memref<2000000x64xf32, #tpu.memory_space<hbm>>
        tpu.enqueue_indirect_dma source(%dma_start3A_368 : memref<2000000x64xf32, #tpu.memory_space<hbm>>) target(%dma_start3A_364 : memref<128x64xf32, #tpu.memory_space<vmem>>) offsets(%dma_start3A_365 : memref<128xi32, #tpu.memory_space<vmem>>) semaphore(%arg7 : memref<!tpu.dma_semaphore, #tpu.memory_space<semaphore_mem>>)
        %add3A_369 = arith.constant 128 : i32
        %add3A_370 = arith.addi %mul3A_359, %add3A_369 : i32
        %dma_start3A_371 = arith.constant 0 : i32
        %dma_start3A_372 = arith.constant 129 : i32
        %dma_start3A_373 = arith.constant 0 : i32
        %dma_start3A_374 = tpu.memref_slice %arg6[%dma_start3A_371, %dma_start3A_372, %dma_start3A_373] : memref<4x200x64xf32, #tpu.memory_space<vmem>> -> memref<1x71x64xf32, #tpu.memory_space<vmem>>
        %dma_start3A_375 = tpu.memref_squeeze %dma_start3A_374 : memref<1x71x64xf32, #tpu.memory_space<vmem>> -> memref<71x64xf32, #tpu.memory_space<vmem>>
        %dma_start3A_376 = tpu.memref_slice %arg5[%add3A_370] : memref<25600xi32, #tpu.memory_space<vmem>> -> memref<71xi32, #tpu.memory_space<vmem>>
        %dma_start3A_377 = arith.constant 0 : i32
        %dma_start3A_378 = arith.constant 0 : i32
        %dma_start3A_379 = tpu.memref_slice %arg3[%dma_start3A_377, %dma_start3A_378] : memref<2000000x64xf32, #tpu.memory_space<hbm>> -> memref<2000000x64xf32, #tpu.memory_space<hbm>>
        tpu.enqueue_indirect_dma source(%dma_start3A_379 : memref<2000000x64xf32, #tpu.memory_space<hbm>>) target(%dma_start3A_375 : memref<71x64xf32, #tpu.memory_space<vmem>>) offsets(%dma_start3A_376 : memref<71xi32, #tpu.memory_space<vmem>>) semaphore(%arg7 : memref<!tpu.dma_semaphore, #tpu.memory_space<semaphore_mem>>)
      } else {
      }
      %mul3A_244 = arith.constant 4 : i32
      %mul3A_245 = arith.muli %scan3A_141, %mul3A_244 : i32
      %add3A_246 = arith.constant 2 : i32
      %add3A_247 = arith.addi %mul3A_245, %add3A_246 : i32
      %dma_wait3A_248 = arith.constant 2 : i32
      %dma_wait3A_249 = arith.constant 1 : i32
      %dma_wait3A_250 = arith.constant 0 : i32
      %dma_wait3A_251 = tpu.memref_slice %arg6[%dma_wait3A_248, %dma_wait3A_249, %dma_wait3A_250] : memref<4x200x64xf32, #tpu.memory_space<vmem>> -> memref<1x128x64xf32, #tpu.memory_space<vmem>>
      %dma_wait3A_252 = tpu.memref_squeeze %dma_wait3A_251 : memref<1x128x64xf32, #tpu.memory_space<vmem>> -> memref<128x64xf32, #tpu.memory_space<vmem>>
      %dma_wait3A_253 = arith.constant 0 : i32
      %dma_wait3A_254 = tpu.memref_slice %arg5[%dma_wait3A_253] : memref<25600xi32, #tpu.memory_space<vmem>> -> memref<128xi32, #tpu.memory_space<vmem>>
      %dma_wait3A_255 = arith.constant 0 : i32
      %dma_wait3A_256 = arith.constant 0 : i32
      %dma_wait3A_257 = tpu.memref_slice %arg3[%dma_wait3A_255, %dma_wait3A_256] : memref<2000000x64xf32, #tpu.memory_space<hbm>> -> memref<2000000x64xf32, #tpu.memory_space<hbm>>
      tpu.wait_indirect_dma semaphore(%arg9 : memref<!tpu.dma_semaphore, #tpu.memory_space<semaphore_mem>>) src(%dma_wait3A_257 : memref<2000000x64xf32, #tpu.memory_space<hbm>>) dst(%dma_wait3A_252 : memref<128x64xf32, #tpu.memory_space<vmem>>)
      %dma_wait3A_258 = arith.constant 2 : i32
      %dma_wait3A_259 = arith.constant 129 : i32
      %dma_wait3A_260 = arith.constant 0 : i32
      %dma_wait3A_261 = tpu.memref_slice %arg6[%dma_wait3A_258, %dma_wait3A_259, %dma_wait3A_260] : memref<4x200x64xf32, #tpu.memory_space<vmem>> -> memref<1x71x64xf32, #tpu.memory_space<vmem>>
      %dma_wait3A_262 = tpu.memref_squeeze %dma_wait3A_261 : memref<1x71x64xf32, #tpu.memory_space<vmem>> -> memref<71x64xf32, #tpu.memory_space<vmem>>
      %dma_wait3A_263 = arith.constant 128 : i32
      %dma_wait3A_264 = tpu.memref_slice %arg5[%dma_wait3A_263] : memref<25600xi32, #tpu.memory_space<vmem>> -> memref<71xi32, #tpu.memory_space<vmem>>
      %dma_wait3A_265 = arith.constant 0 : i32
      %dma_wait3A_266 = arith.constant 0 : i32
      %dma_wait3A_267 = tpu.memref_slice %arg3[%dma_wait3A_265, %dma_wait3A_266] : memref<2000000x64xf32, #tpu.memory_space<hbm>> -> memref<2000000x64xf32, #tpu.memory_space<hbm>>
      tpu.wait_indirect_dma semaphore(%arg9 : memref<!tpu.dma_semaphore, #tpu.memory_space<semaphore_mem>>) src(%dma_wait3A_267 : memref<2000000x64xf32, #tpu.memory_space<hbm>>) dst(%dma_wait3A_262 : memref<71x64xf32, #tpu.memory_space<vmem>>)
      %mul3A_268 = arith.constant 128 : i32
      %mul3A_269 = arith.muli %add3A, %mul3A_268 : i32
      %add3A_270 = arith.addi %mul3A_269, %add3A_247 : i32
      %dma_start3A_271 = arith.constant 2 : i32
      %dma_start3A_272 = arith.constant 0 : i32
      %dma_start3A_273 = arith.constant 0 : i32
      %dma_start3A_274 = tpu.memref_slice %arg6[%dma_start3A_271, %dma_start3A_272, %dma_start3A_273] : memref<4x200x64xf32, #tpu.memory_space<vmem>> -> memref<1x200x64xf32, #tpu.memory_space<vmem>>
      %dma_start3A_275 = tpu.memref_squeeze %dma_start3A_274 : memref<1x200x64xf32, #tpu.memory_space<vmem>> -> memref<200x64xf32, #tpu.memory_space<vmem>>
      %dma_start3A_276 = arith.constant 0 : i32
      %dma_start3A_277 = arith.constant 0 : i32
      %dma_start3A_278 = tpu.memref_slice %arg4[%add3A_270, %dma_start3A_276, %dma_start3A_277] : memref<4096x200x128xf32, #tpu.memory_space<hbm>> -> memref<1x200x64xf32, #tpu.memory_space<hbm>>
      %dma_start3A_279 = tpu.memref_squeeze %dma_start3A_278 : memref<1x200x64xf32, #tpu.memory_space<hbm>> -> memref<200x64xf32, #tpu.memory_space<hbm>>
      %dma_start3A_280 = arith.constant 0 : i32
      %dma_start3A_281 = arith.constant 0 : i32
      %dma_start3A_282 = tpu.memref_slice %arg4[%add3A_270, %dma_start3A_280, %dma_start3A_281] : memref<4096x200x128xf32, #tpu.memory_space<hbm>> -> memref<1x200x64xf32, #tpu.memory_space<hbm>>
      %dma_start3A_283 = tpu.memref_squeeze %dma_start3A_282 : memref<1x200x64xf32, #tpu.memory_space<hbm>> -> memref<200x64xf32, #tpu.memory_space<hbm>>
      %dma_start3A_284 = arith.constant 0 : i32
      %dma_start3A_285 = arith.constant 0 : i32
      %dma_start3A_286 = tpu.memref_slice %arg6[%dma_start3A_271, %dma_start3A_284, %dma_start3A_285] : memref<4x200x64xf32, #tpu.memory_space<vmem>> -> memref<1x200x64xf32, #tpu.memory_space<vmem>>
      %dma_start3A_287 = tpu.memref_squeeze %dma_start3A_286 : memref<1x200x64xf32, #tpu.memory_space<vmem>> -> memref<200x64xf32, #tpu.memory_space<vmem>>
      tpu.enqueue_dma source(%dma_start3A_287 : memref<200x64xf32, #tpu.memory_space<vmem>>) target(%dma_start3A_283 : memref<200x64xf32, #tpu.memory_space<hbm>>) target_semaphore(%arg13 : memref<!tpu.dma_semaphore, #tpu.memory_space<semaphore_mem>>)
      %add3A_288 = arith.constant 4 : i32
      %add3A_289 = arith.addi %add3A_247, %add3A_288 : i32
      %sub3A_290 = arith.constant 1 : i32
      %sub3A_291 = arith.subi %add3A_289, %sub3A_290 : i32
      %lt3A_292 = arith.constant 128 : i32
      %lt3A_293 = arith.cmpi slt, %sub3A_291, %lt3A_292 : i32
      %convert_element_type3A_294 = arith.extui %lt3A_293 : i1 to i32
      %cond3A_295 = arith.constant 0 : i32
      %cond3A_296 = arith.cmpi ne, %convert_element_type3A_294, %cond3A_295 : i32
      scf.if %cond3A_296 {
        %ge3A = arith.constant 1 : i32
        %ge3A_350 = arith.cmpi sge, %add3A_247, %ge3A : i32
        %convert_element_type3A_351 = arith.extui %ge3A_350 : i1 to i32
        %cond3A_352 = arith.constant 0 : i32
        %cond3A_353 = arith.cmpi ne, %convert_element_type3A_351, %cond3A_352 : i32
        scf.if %cond3A_353 {
          %dma_wait3A_380 = arith.constant 1 : i32
          %dma_wait3A_381 = arith.constant 0 : i32
          %dma_wait3A_382 = arith.constant 0 : i32
          %dma_wait3A_383 = arith.constant 0 : i32
          %dma_wait3A_384 = tpu.memref_slice %arg6[%dma_wait3A_380, %dma_wait3A_382, %dma_wait3A_383] : memref<4x200x64xf32, #tpu.memory_space<vmem>> -> memref<1x200x64xf32, #tpu.memory_space<vmem>>
          %dma_wait3A_385 = tpu.memref_squeeze %dma_wait3A_384 : memref<1x200x64xf32, #tpu.memory_space<vmem>> -> memref<200x64xf32, #tpu.memory_space<vmem>>
          %dma_wait3A_386 = arith.constant 0 : i32
          %dma_wait3A_387 = arith.constant 0 : i32
          %dma_wait3A_388 = tpu.memref_slice %arg4[%dma_wait3A_381, %dma_wait3A_386, %dma_wait3A_387] : memref<4096x200x128xf32, #tpu.memory_space<hbm>> -> memref<1x200x64xf32, #tpu.memory_space<hbm>>
          %dma_wait3A_389 = tpu.memref_squeeze %dma_wait3A_388 : memref<1x200x64xf32, #tpu.memory_space<hbm>> -> memref<200x64xf32, #tpu.memory_space<hbm>>
          %dma_wait3A_390 = arith.constant 0 : i32
          %dma_wait3A_391 = arith.constant 0 : i32
          %dma_wait3A_392 = tpu.memref_slice %arg4[%dma_wait3A_381, %dma_wait3A_390, %dma_wait3A_391] : memref<4096x200x128xf32, #tpu.memory_space<hbm>> -> memref<1x200x64xf32, #tpu.memory_space<hbm>>
          %dma_wait3A_393 = tpu.memref_squeeze %dma_wait3A_392 : memref<1x200x64xf32, #tpu.memory_space<hbm>> -> memref<200x64xf32, #tpu.memory_space<hbm>>
          %dma_wait3A_394 = arith.constant 0 : i32
          %dma_wait3A_395 = arith.constant 0 : i32
          %dma_wait3A_396 = tpu.memref_slice %arg6[%dma_wait3A_380, %dma_wait3A_394, %dma_wait3A_395] : memref<4x200x64xf32, #tpu.memory_space<vmem>> -> memref<1x200x64xf32, #tpu.memory_space<vmem>>
          %dma_wait3A_397 = tpu.memref_squeeze %dma_wait3A_396 : memref<1x200x64xf32, #tpu.memory_space<vmem>> -> memref<200x64xf32, #tpu.memory_space<vmem>>
          tpu.wait_dma2 semaphore(%arg12 : memref<!tpu.dma_semaphore, #tpu.memory_space<semaphore_mem>>) src(%dma_wait3A_397 : memref<200x64xf32, #tpu.memory_space<vmem>>) dst(%dma_wait3A_393 : memref<200x64xf32, #tpu.memory_space<hbm>>)
        } else {
        }
        %add3A_354 = arith.constant 4 : i32
        %add3A_355 = arith.addi %add3A_247, %add3A_354 : i32
        %sub3A_356 = arith.constant 1 : i32
        %sub3A_357 = arith.subi %add3A_355, %sub3A_356 : i32
        %mul3A_358 = arith.constant 200 : i32
        %mul3A_359 = arith.muli %sub3A_357, %mul3A_358 : i32
        %dma_start3A_360 = arith.constant 1 : i32
        %dma_start3A_361 = arith.constant 1 : i32
        %dma_start3A_362 = arith.constant 0 : i32
        %dma_start3A_363 = tpu.memref_slice %arg6[%dma_start3A_360, %dma_start3A_361, %dma_start3A_362] : memref<4x200x64xf32, #tpu.memory_space<vmem>> -> memref<1x128x64xf32, #tpu.memory_space<vmem>>
        %dma_start3A_364 = tpu.memref_squeeze %dma_start3A_363 : memref<1x128x64xf32, #tpu.memory_space<vmem>> -> memref<128x64xf32, #tpu.memory_space<vmem>>
        %dma_start3A_365 = tpu.memref_slice %arg5[%mul3A_359] : memref<25600xi32, #tpu.memory_space<vmem>> -> memref<128xi32, #tpu.memory_space<vmem>>
        %dma_start3A_366 = arith.constant 0 : i32
        %dma_start3A_367 = arith.constant 0 : i32
        %dma_start3A_368 = tpu.memref_slice %arg3[%dma_start3A_366, %dma_start3A_367] : memref<2000000x64xf32, #tpu.memory_space<hbm>> -> memref<2000000x64xf32, #tpu.memory_space<hbm>>
        tpu.enqueue_indirect_dma source(%dma_start3A_368 : memref<2000000x64xf32, #tpu.memory_space<hbm>>) target(%dma_start3A_364 : memref<128x64xf32, #tpu.memory_space<vmem>>) offsets(%dma_start3A_365 : memref<128xi32, #tpu.memory_space<vmem>>) semaphore(%arg8 : memref<!tpu.dma_semaphore, #tpu.memory_space<semaphore_mem>>)
        %add3A_369 = arith.constant 128 : i32
        %add3A_370 = arith.addi %mul3A_359, %add3A_369 : i32
        %dma_start3A_371 = arith.constant 1 : i32
        %dma_start3A_372 = arith.constant 129 : i32
        %dma_start3A_373 = arith.constant 0 : i32
        %dma_start3A_374 = tpu.memref_slice %arg6[%dma_start3A_371, %dma_start3A_372, %dma_start3A_373] : memref<4x200x64xf32, #tpu.memory_space<vmem>> -> memref<1x71x64xf32, #tpu.memory_space<vmem>>
        %dma_start3A_375 = tpu.memref_squeeze %dma_start3A_374 : memref<1x71x64xf32, #tpu.memory_space<vmem>> -> memref<71x64xf32, #tpu.memory_space<vmem>>
        %dma_start3A_376 = tpu.memref_slice %arg5[%add3A_370] : memref<25600xi32, #tpu.memory_space<vmem>> -> memref<71xi32, #tpu.memory_space<vmem>>
        %dma_start3A_377 = arith.constant 0 : i32
        %dma_start3A_378 = arith.constant 0 : i32
        %dma_start3A_379 = tpu.memref_slice %arg3[%dma_start3A_377, %dma_start3A_378] : memref<2000000x64xf32, #tpu.memory_space<hbm>> -> memref<2000000x64xf32, #tpu.memory_space<hbm>>
        tpu.enqueue_indirect_dma source(%dma_start3A_379 : memref<2000000x64xf32, #tpu.memory_space<hbm>>) target(%dma_start3A_375 : memref<71x64xf32, #tpu.memory_space<vmem>>) offsets(%dma_start3A_376 : memref<71xi32, #tpu.memory_space<vmem>>) semaphore(%arg8 : memref<!tpu.dma_semaphore, #tpu.memory_space<semaphore_mem>>)
      } else {
      }
      %mul3A_297 = arith.constant 4 : i32
      %mul3A_298 = arith.muli %scan3A_141, %mul3A_297 : i32
      %add3A_299 = arith.constant 3 : i32
      %add3A_300 = arith.addi %mul3A_298, %add3A_299 : i32
      %dma_wait3A_301 = arith.constant 3 : i32
      %dma_wait3A_302 = arith.constant 1 : i32
      %dma_wait3A_303 = arith.constant 0 : i32
      %dma_wait3A_304 = tpu.memref_slice %arg6[%dma_wait3A_301, %dma_wait3A_302, %dma_wait3A_303] : memref<4x200x64xf32, #tpu.memory_space<vmem>> -> memref<1x128x64xf32, #tpu.memory_space<vmem>>
      %dma_wait3A_305 = tpu.memref_squeeze %dma_wait3A_304 : memref<1x128x64xf32, #tpu.memory_space<vmem>> -> memref<128x64xf32, #tpu.memory_space<vmem>>
      %dma_wait3A_306 = arith.constant 0 : i32
      %dma_wait3A_307 = tpu.memref_slice %arg5[%dma_wait3A_306] : memref<25600xi32, #tpu.memory_space<vmem>> -> memref<128xi32, #tpu.memory_space<vmem>>
      %dma_wait3A_308 = arith.constant 0 : i32
      %dma_wait3A_309 = arith.constant 0 : i32
      %dma_wait3A_310 = tpu.memref_slice %arg3[%dma_wait3A_308, %dma_wait3A_309] : memref<2000000x64xf32, #tpu.memory_space<hbm>> -> memref<2000000x64xf32, #tpu.memory_space<hbm>>
      tpu.wait_indirect_dma semaphore(%arg10 : memref<!tpu.dma_semaphore, #tpu.memory_space<semaphore_mem>>) src(%dma_wait3A_310 : memref<2000000x64xf32, #tpu.memory_space<hbm>>) dst(%dma_wait3A_305 : memref<128x64xf32, #tpu.memory_space<vmem>>)
      %dma_wait3A_311 = arith.constant 3 : i32
      %dma_wait3A_312 = arith.constant 129 : i32
      %dma_wait3A_313 = arith.constant 0 : i32
      %dma_wait3A_314 = tpu.memref_slice %arg6[%dma_wait3A_311, %dma_wait3A_312, %dma_wait3A_313] : memref<4x200x64xf32, #tpu.memory_space<vmem>> -> memref<1x71x64xf32, #tpu.memory_space<vmem>>
      %dma_wait3A_315 = tpu.memref_squeeze %dma_wait3A_314 : memref<1x71x64xf32, #tpu.memory_space<vmem>> -> memref<71x64xf32, #tpu.memory_space<vmem>>
      %dma_wait3A_316 = arith.constant 128 : i32
      %dma_wait3A_317 = tpu.memref_slice %arg5[%dma_wait3A_316] : memref<25600xi32, #tpu.memory_space<vmem>> -> memref<71xi32, #tpu.memory_space<vmem>>
      %dma_wait3A_318 = arith.constant 0 : i32
      %dma_wait3A_319 = arith.constant 0 : i32
      %dma_wait3A_320 = tpu.memref_slice %arg3[%dma_wait3A_318, %dma_wait3A_319] : memref<2000000x64xf32, #tpu.memory_space<hbm>> -> memref<2000000x64xf32, #tpu.memory_space<hbm>>
      tpu.wait_indirect_dma semaphore(%arg10 : memref<!tpu.dma_semaphore, #tpu.memory_space<semaphore_mem>>) src(%dma_wait3A_320 : memref<2000000x64xf32, #tpu.memory_space<hbm>>) dst(%dma_wait3A_315 : memref<71x64xf32, #tpu.memory_space<vmem>>)
      %mul3A_321 = arith.constant 128 : i32
      %mul3A_322 = arith.muli %add3A, %mul3A_321 : i32
      %add3A_323 = arith.addi %mul3A_322, %add3A_300 : i32
      %dma_start3A_324 = arith.constant 3 : i32
      %dma_start3A_325 = arith.constant 0 : i32
      %dma_start3A_326 = arith.constant 0 : i32
      %dma_start3A_327 = tpu.memref_slice %arg6[%dma_start3A_324, %dma_start3A_325, %dma_start3A_326] : memref<4x200x64xf32, #tpu.memory_space<vmem>> -> memref<1x200x64xf32, #tpu.memory_space<vmem>>
      %dma_start3A_328 = tpu.memref_squeeze %dma_start3A_327 : memref<1x200x64xf32, #tpu.memory_space<vmem>> -> memref<200x64xf32, #tpu.memory_space<vmem>>
      %dma_start3A_329 = arith.constant 0 : i32
      %dma_start3A_330 = arith.constant 0 : i32
      %dma_start3A_331 = tpu.memref_slice %arg4[%add3A_323, %dma_start3A_329, %dma_start3A_330] : memref<4096x200x128xf32, #tpu.memory_space<hbm>> -> memref<1x200x64xf32, #tpu.memory_space<hbm>>
      %dma_start3A_332 = tpu.memref_squeeze %dma_start3A_331 : memref<1x200x64xf32, #tpu.memory_space<hbm>> -> memref<200x64xf32, #tpu.memory_space<hbm>>
      %dma_start3A_333 = arith.constant 0 : i32
      %dma_start3A_334 = arith.constant 0 : i32
      %dma_start3A_335 = tpu.memref_slice %arg4[%add3A_323, %dma_start3A_333, %dma_start3A_334] : memref<4096x200x128xf32, #tpu.memory_space<hbm>> -> memref<1x200x64xf32, #tpu.memory_space<hbm>>
      %dma_start3A_336 = tpu.memref_squeeze %dma_start3A_335 : memref<1x200x64xf32, #tpu.memory_space<hbm>> -> memref<200x64xf32, #tpu.memory_space<hbm>>
      %dma_start3A_337 = arith.constant 0 : i32
      %dma_start3A_338 = arith.constant 0 : i32
      %dma_start3A_339 = tpu.memref_slice %arg6[%dma_start3A_324, %dma_start3A_337, %dma_start3A_338] : memref<4x200x64xf32, #tpu.memory_space<vmem>> -> memref<1x200x64xf32, #tpu.memory_space<vmem>>
      %dma_start3A_340 = tpu.memref_squeeze %dma_start3A_339 : memref<1x200x64xf32, #tpu.memory_space<vmem>> -> memref<200x64xf32, #tpu.memory_space<vmem>>
      tpu.enqueue_dma source(%dma_start3A_340 : memref<200x64xf32, #tpu.memory_space<vmem>>) target(%dma_start3A_336 : memref<200x64xf32, #tpu.memory_space<hbm>>) target_semaphore(%arg14 : memref<!tpu.dma_semaphore, #tpu.memory_space<semaphore_mem>>)
      %add3A_341 = arith.constant 4 : i32
      %add3A_342 = arith.addi %add3A_300, %add3A_341 : i32
      %sub3A_343 = arith.constant 1 : i32
      %sub3A_344 = arith.subi %add3A_342, %sub3A_343 : i32
      %lt3A_345 = arith.constant 128 : i32
      %lt3A_346 = arith.cmpi slt, %sub3A_344, %lt3A_345 : i32
      %convert_element_type3A_347 = arith.extui %lt3A_346 : i1 to i32
      %cond3A_348 = arith.constant 0 : i32
      %cond3A_349 = arith.cmpi ne, %convert_element_type3A_347, %cond3A_348 : i32
      scf.if %cond3A_349 {
        %ge3A = arith.constant 1 : i32
        %ge3A_350 = arith.cmpi sge, %add3A_300, %ge3A : i32
        %convert_element_type3A_351 = arith.extui %ge3A_350 : i1 to i32
        %cond3A_352 = arith.constant 0 : i32
        %cond3A_353 = arith.cmpi ne, %convert_element_type3A_351, %cond3A_352 : i32
        scf.if %cond3A_353 {
          %dma_wait3A_380 = arith.constant 2 : i32
          %dma_wait3A_381 = arith.constant 0 : i32
          %dma_wait3A_382 = arith.constant 0 : i32
          %dma_wait3A_383 = arith.constant 0 : i32
          %dma_wait3A_384 = tpu.memref_slice %arg6[%dma_wait3A_380, %dma_wait3A_382, %dma_wait3A_383] : memref<4x200x64xf32, #tpu.memory_space<vmem>> -> memref<1x200x64xf32, #tpu.memory_space<vmem>>
          %dma_wait3A_385 = tpu.memref_squeeze %dma_wait3A_384 : memref<1x200x64xf32, #tpu.memory_space<vmem>> -> memref<200x64xf32, #tpu.memory_space<vmem>>
          %dma_wait3A_386 = arith.constant 0 : i32
          %dma_wait3A_387 = arith.constant 0 : i32
          %dma_wait3A_388 = tpu.memref_slice %arg4[%dma_wait3A_381, %dma_wait3A_386, %dma_wait3A_387] : memref<4096x200x128xf32, #tpu.memory_space<hbm>> -> memref<1x200x64xf32, #tpu.memory_space<hbm>>
          %dma_wait3A_389 = tpu.memref_squeeze %dma_wait3A_388 : memref<1x200x64xf32, #tpu.memory_space<hbm>> -> memref<200x64xf32, #tpu.memory_space<hbm>>
          %dma_wait3A_390 = arith.constant 0 : i32
          %dma_wait3A_391 = arith.constant 0 : i32
          %dma_wait3A_392 = tpu.memref_slice %arg4[%dma_wait3A_381, %dma_wait3A_390, %dma_wait3A_391] : memref<4096x200x128xf32, #tpu.memory_space<hbm>> -> memref<1x200x64xf32, #tpu.memory_space<hbm>>
          %dma_wait3A_393 = tpu.memref_squeeze %dma_wait3A_392 : memref<1x200x64xf32, #tpu.memory_space<hbm>> -> memref<200x64xf32, #tpu.memory_space<hbm>>
          %dma_wait3A_394 = arith.constant 0 : i32
          %dma_wait3A_395 = arith.constant 0 : i32
          %dma_wait3A_396 = tpu.memref_slice %arg6[%dma_wait3A_380, %dma_wait3A_394, %dma_wait3A_395] : memref<4x200x64xf32, #tpu.memory_space<vmem>> -> memref<1x200x64xf32, #tpu.memory_space<vmem>>
          %dma_wait3A_397 = tpu.memref_squeeze %dma_wait3A_396 : memref<1x200x64xf32, #tpu.memory_space<vmem>> -> memref<200x64xf32, #tpu.memory_space<vmem>>
          tpu.wait_dma2 semaphore(%arg13 : memref<!tpu.dma_semaphore, #tpu.memory_space<semaphore_mem>>) src(%dma_wait3A_397 : memref<200x64xf32, #tpu.memory_space<vmem>>) dst(%dma_wait3A_393 : memref<200x64xf32, #tpu.memory_space<hbm>>)
        } else {
        }
        %add3A_354 = arith.constant 4 : i32
        %add3A_355 = arith.addi %add3A_300, %add3A_354 : i32
        %sub3A_356 = arith.constant 1 : i32
        %sub3A_357 = arith.subi %add3A_355, %sub3A_356 : i32
        %mul3A_358 = arith.constant 200 : i32
        %mul3A_359 = arith.muli %sub3A_357, %mul3A_358 : i32
        %dma_start3A_360 = arith.constant 2 : i32
        %dma_start3A_361 = arith.constant 1 : i32
        %dma_start3A_362 = arith.constant 0 : i32
        %dma_start3A_363 = tpu.memref_slice %arg6[%dma_start3A_360, %dma_start3A_361, %dma_start3A_362] : memref<4x200x64xf32, #tpu.memory_space<vmem>> -> memref<1x128x64xf32, #tpu.memory_space<vmem>>
        %dma_start3A_364 = tpu.memref_squeeze %dma_start3A_363 : memref<1x128x64xf32, #tpu.memory_space<vmem>> -> memref<128x64xf32, #tpu.memory_space<vmem>>
        %dma_start3A_365 = tpu.memref_slice %arg5[%mul3A_359] : memref<25600xi32, #tpu.memory_space<vmem>> -> memref<128xi32, #tpu.memory_space<vmem>>
        %dma_start3A_366 = arith.constant 0 : i32
        %dma_start3A_367 = arith.constant 0 : i32
        %dma_start3A_368 = tpu.memref_slice %arg3[%dma_start3A_366, %dma_start3A_367] : memref<2000000x64xf32, #tpu.memory_space<hbm>> -> memref<2000000x64xf32, #tpu.memory_space<hbm>>
        tpu.enqueue_indirect_dma source(%dma_start3A_368 : memref<2000000x64xf32, #tpu.memory_space<hbm>>) target(%dma_start3A_364 : memref<128x64xf32, #tpu.memory_space<vmem>>) offsets(%dma_start3A_365 : memref<128xi32, #tpu.memory_space<vmem>>) semaphore(%arg9 : memref<!tpu.dma_semaphore, #tpu.memory_space<semaphore_mem>>)
        %add3A_369 = arith.constant 128 : i32
        %add3A_370 = arith.addi %mul3A_359, %add3A_369 : i32
        %dma_start3A_371 = arith.constant 2 : i32
        %dma_start3A_372 = arith.constant 129 : i32
        %dma_start3A_373 = arith.constant 0 : i32
        %dma_start3A_374 = tpu.memref_slice %arg6[%dma_start3A_371, %dma_start3A_372, %dma_start3A_373] : memref<4x200x64xf32, #tpu.memory_space<vmem>> -> memref<1x71x64xf32, #tpu.memory_space<vmem>>
        %dma_start3A_375 = tpu.memref_squeeze %dma_start3A_374 : memref<1x71x64xf32, #tpu.memory_space<vmem>> -> memref<71x64xf32, #tpu.memory_space<vmem>>
        %dma_start3A_376 = tpu.memref_slice %arg5[%add3A_370] : memref<25600xi32, #tpu.memory_space<vmem>> -> memref<71xi32, #tpu.memory_space<vmem>>
        %dma_start3A_377 = arith.constant 0 : i32
        %dma_start3A_378 = arith.constant 0 : i32
        %dma_start3A_379 = tpu.memref_slice %arg3[%dma_start3A_377, %dma_start3A_378] : memref<2000000x64xf32, #tpu.memory_space<hbm>> -> memref<2000000x64xf32, #tpu.memory_space<hbm>>
        tpu.enqueue_indirect_dma source(%dma_start3A_379 : memref<2000000x64xf32, #tpu.memory_space<hbm>>) target(%dma_start3A_375 : memref<71x64xf32, #tpu.memory_space<vmem>>) offsets(%dma_start3A_376 : memref<71xi32, #tpu.memory_space<vmem>>) semaphore(%arg9 : memref<!tpu.dma_semaphore, #tpu.memory_space<semaphore_mem>>)
      } else {
      }
    }
    %scan3A_69 = arith.constant 32 : i32
    %dma_wait3A = arith.constant 0 : i32
    %dma_wait3A_70 = arith.constant 0 : i32
    %dma_wait3A_71 = arith.constant 0 : i32
    %dma_wait3A_72 = arith.constant 0 : i32
    %dma_wait3A_73 = tpu.memref_slice %arg6[%dma_wait3A, %dma_wait3A_71, %dma_wait3A_72] : memref<4x200x64xf32, #tpu.memory_space<vmem>> -> memref<1x200x64xf32, #tpu.memory_space<vmem>>
    %dma_wait3A_74 = tpu.memref_squeeze %dma_wait3A_73 : memref<1x200x64xf32, #tpu.memory_space<vmem>> -> memref<200x64xf32, #tpu.memory_space<vmem>>
    %dma_wait3A_75 = arith.constant 0 : i32
    %dma_wait3A_76 = arith.constant 0 : i32
    %dma_wait3A_77 = tpu.memref_slice %arg4[%dma_wait3A_70, %dma_wait3A_75, %dma_wait3A_76] : memref<4096x200x128xf32, #tpu.memory_space<hbm>> -> memref<1x200x64xf32, #tpu.memory_space<hbm>>
    %dma_wait3A_78 = tpu.memref_squeeze %dma_wait3A_77 : memref<1x200x64xf32, #tpu.memory_space<hbm>> -> memref<200x64xf32, #tpu.memory_space<hbm>>
    %dma_wait3A_79 = arith.constant 0 : i32
    %dma_wait3A_80 = arith.constant 0 : i32
    %dma_wait3A_81 = tpu.memref_slice %arg4[%dma_wait3A_70, %dma_wait3A_79, %dma_wait3A_80] : memref<4096x200x128xf32, #tpu.memory_space<hbm>> -> memref<1x200x64xf32, #tpu.memory_space<hbm>>
    %dma_wait3A_82 = tpu.memref_squeeze %dma_wait3A_81 : memref<1x200x64xf32, #tpu.memory_space<hbm>> -> memref<200x64xf32, #tpu.memory_space<hbm>>
    %dma_wait3A_83 = arith.constant 0 : i32
    %dma_wait3A_84 = arith.constant 0 : i32
    %dma_wait3A_85 = tpu.memref_slice %arg6[%dma_wait3A, %dma_wait3A_83, %dma_wait3A_84] : memref<4x200x64xf32, #tpu.memory_space<vmem>> -> memref<1x200x64xf32, #tpu.memory_space<vmem>>
    %dma_wait3A_86 = tpu.memref_squeeze %dma_wait3A_85 : memref<1x200x64xf32, #tpu.memory_space<vmem>> -> memref<200x64xf32, #tpu.memory_space<vmem>>
    tpu.wait_dma2 semaphore(%arg11 : memref<!tpu.dma_semaphore, #tpu.memory_space<semaphore_mem>>) src(%dma_wait3A_86 : memref<200x64xf32, #tpu.memory_space<vmem>>) dst(%dma_wait3A_82 : memref<200x64xf32, #tpu.memory_space<hbm>>)
    %dma_wait3A_87 = arith.constant 1 : i32
    %dma_wait3A_88 = arith.constant 0 : i32
    %dma_wait3A_89 = arith.constant 0 : i32
    %dma_wait3A_90 = arith.constant 0 : i32
    %dma_wait3A_91 = tpu.memref_slice %arg6[%dma_wait3A_87, %dma_wait3A_89, %dma_wait3A_90] : memref<4x200x64xf32, #tpu.memory_space<vmem>> -> memref<1x200x64xf32, #tpu.memory_space<vmem>>
    %dma_wait3A_92 = tpu.memref_squeeze %dma_wait3A_91 : memref<1x200x64xf32, #tpu.memory_space<vmem>> -> memref<200x64xf32, #tpu.memory_space<vmem>>
    %dma_wait3A_93 = arith.constant 0 : i32
    %dma_wait3A_94 = arith.constant 0 : i32
    %dma_wait3A_95 = tpu.memref_slice %arg4[%dma_wait3A_88, %dma_wait3A_93, %dma_wait3A_94] : memref<4096x200x128xf32, #tpu.memory_space<hbm>> -> memref<1x200x64xf32, #tpu.memory_space<hbm>>
    %dma_wait3A_96 = tpu.memref_squeeze %dma_wait3A_95 : memref<1x200x64xf32, #tpu.memory_space<hbm>> -> memref<200x64xf32, #tpu.memory_space<hbm>>
    %dma_wait3A_97 = arith.constant 0 : i32
    %dma_wait3A_98 = arith.constant 0 : i32
    %dma_wait3A_99 = tpu.memref_slice %arg4[%dma_wait3A_88, %dma_wait3A_97, %dma_wait3A_98] : memref<4096x200x128xf32, #tpu.memory_space<hbm>> -> memref<1x200x64xf32, #tpu.memory_space<hbm>>
    %dma_wait3A_100 = tpu.memref_squeeze %dma_wait3A_99 : memref<1x200x64xf32, #tpu.memory_space<hbm>> -> memref<200x64xf32, #tpu.memory_space<hbm>>
    %dma_wait3A_101 = arith.constant 0 : i32
    %dma_wait3A_102 = arith.constant 0 : i32
    %dma_wait3A_103 = tpu.memref_slice %arg6[%dma_wait3A_87, %dma_wait3A_101, %dma_wait3A_102] : memref<4x200x64xf32, #tpu.memory_space<vmem>> -> memref<1x200x64xf32, #tpu.memory_space<vmem>>
    %dma_wait3A_104 = tpu.memref_squeeze %dma_wait3A_103 : memref<1x200x64xf32, #tpu.memory_space<vmem>> -> memref<200x64xf32, #tpu.memory_space<vmem>>
    tpu.wait_dma2 semaphore(%arg12 : memref<!tpu.dma_semaphore, #tpu.memory_space<semaphore_mem>>) src(%dma_wait3A_104 : memref<200x64xf32, #tpu.memory_space<vmem>>) dst(%dma_wait3A_100 : memref<200x64xf32, #tpu.memory_space<hbm>>)
    %dma_wait3A_105 = arith.constant 2 : i32
    %dma_wait3A_106 = arith.constant 0 : i32
    %dma_wait3A_107 = arith.constant 0 : i32
    %dma_wait3A_108 = arith.constant 0 : i32
    %dma_wait3A_109 = tpu.memref_slice %arg6[%dma_wait3A_105, %dma_wait3A_107, %dma_wait3A_108] : memref<4x200x64xf32, #tpu.memory_space<vmem>> -> memref<1x200x64xf32, #tpu.memory_space<vmem>>
    %dma_wait3A_110 = tpu.memref_squeeze %dma_wait3A_109 : memref<1x200x64xf32, #tpu.memory_space<vmem>> -> memref<200x64xf32, #tpu.memory_space<vmem>>
    %dma_wait3A_111 = arith.constant 0 : i32
    %dma_wait3A_112 = arith.constant 0 : i32
    %dma_wait3A_113 = tpu.memref_slice %arg4[%dma_wait3A_106, %dma_wait3A_111, %dma_wait3A_112] : memref<4096x200x128xf32, #tpu.memory_space<hbm>> -> memref<1x200x64xf32, #tpu.memory_space<hbm>>
    %dma_wait3A_114 = tpu.memref_squeeze %dma_wait3A_113 : memref<1x200x64xf32, #tpu.memory_space<hbm>> -> memref<200x64xf32, #tpu.memory_space<hbm>>
    %dma_wait3A_115 = arith.constant 0 : i32
    %dma_wait3A_116 = arith.constant 0 : i32
    %dma_wait3A_117 = tpu.memref_slice %arg4[%dma_wait3A_106, %dma_wait3A_115, %dma_wait3A_116] : memref<4096x200x128xf32, #tpu.memory_space<hbm>> -> memref<1x200x64xf32, #tpu.memory_space<hbm>>
    %dma_wait3A_118 = tpu.memref_squeeze %dma_wait3A_117 : memref<1x200x64xf32, #tpu.memory_space<hbm>> -> memref<200x64xf32, #tpu.memory_space<hbm>>
    %dma_wait3A_119 = arith.constant 0 : i32
    %dma_wait3A_120 = arith.constant 0 : i32
    %dma_wait3A_121 = tpu.memref_slice %arg6[%dma_wait3A_105, %dma_wait3A_119, %dma_wait3A_120] : memref<4x200x64xf32, #tpu.memory_space<vmem>> -> memref<1x200x64xf32, #tpu.memory_space<vmem>>
    %dma_wait3A_122 = tpu.memref_squeeze %dma_wait3A_121 : memref<1x200x64xf32, #tpu.memory_space<vmem>> -> memref<200x64xf32, #tpu.memory_space<vmem>>
    tpu.wait_dma2 semaphore(%arg13 : memref<!tpu.dma_semaphore, #tpu.memory_space<semaphore_mem>>) src(%dma_wait3A_122 : memref<200x64xf32, #tpu.memory_space<vmem>>) dst(%dma_wait3A_118 : memref<200x64xf32, #tpu.memory_space<hbm>>)
    %dma_wait3A_123 = arith.constant 3 : i32
    %dma_wait3A_124 = arith.constant 0 : i32
    %dma_wait3A_125 = arith.constant 0 : i32
    %dma_wait3A_126 = arith.constant 0 : i32
    %dma_wait3A_127 = tpu.memref_slice %arg6[%dma_wait3A_123, %dma_wait3A_125, %dma_wait3A_126] : memref<4x200x64xf32, #tpu.memory_space<vmem>> -> memref<1x200x64xf32, #tpu.memory_space<vmem>>
    %dma_wait3A_128 = tpu.memref_squeeze %dma_wait3A_127 : memref<1x200x64xf32, #tpu.memory_space<vmem>> -> memref<200x64xf32, #tpu.memory_space<vmem>>
    %dma_wait3A_129 = arith.constant 0 : i32
    %dma_wait3A_130 = arith.constant 0 : i32
    %dma_wait3A_131 = tpu.memref_slice %arg4[%dma_wait3A_124, %dma_wait3A_129, %dma_wait3A_130] : memref<4096x200x128xf32, #tpu.memory_space<hbm>> -> memref<1x200x64xf32, #tpu.memory_space<hbm>>
    %dma_wait3A_132 = tpu.memref_squeeze %dma_wait3A_131 : memref<1x200x64xf32, #tpu.memory_space<hbm>> -> memref<200x64xf32, #tpu.memory_space<hbm>>
    %dma_wait3A_133 = arith.constant 0 : i32
    %dma_wait3A_134 = arith.constant 0 : i32
    %dma_wait3A_135 = tpu.memref_slice %arg4[%dma_wait3A_124, %dma_wait3A_133, %dma_wait3A_134] : memref<4096x200x128xf32, #tpu.memory_space<hbm>> -> memref<1x200x64xf32, #tpu.memory_space<hbm>>
    %dma_wait3A_136 = tpu.memref_squeeze %dma_wait3A_135 : memref<1x200x64xf32, #tpu.memory_space<hbm>> -> memref<200x64xf32, #tpu.memory_space<hbm>>
    %dma_wait3A_137 = arith.constant 0 : i32
    %dma_wait3A_138 = arith.constant 0 : i32
    %dma_wait3A_139 = tpu.memref_slice %arg6[%dma_wait3A_123, %dma_wait3A_137, %dma_wait3A_138] : memref<4x200x64xf32, #tpu.memory_space<vmem>> -> memref<1x200x64xf32, #tpu.memory_space<vmem>>
    %dma_wait3A_140 = tpu.memref_squeeze %dma_wait3A_139 : memref<1x200x64xf32, #tpu.memory_space<vmem>> -> memref<200x64xf32, #tpu.memory_space<vmem>>
    tpu.wait_dma2 semaphore(%arg14 : memref<!tpu.dma_semaphore, #tpu.memory_space<semaphore_mem>>) src(%dma_wait3A_140 : memref<200x64xf32, #tpu.memory_space<vmem>>) dst(%dma_wait3A_136 : memref<200x64xf32, #tpu.memory_space<hbm>>)
    return
  }
}

module attributes {stable_mosaic.version = 14 : i64} {
  func.func @_tp_body(%arg0: i32, %arg1: memref<64x16384xf32, #tpu.memory_space<vmem>>, %arg2: memref<16384x128xf32, #tpu.memory_space<vmem>>) attributes {dimension_semantics = [#tpu.dimension_semantics<arbitrary>], iteration_bounds = array<i64: 62>, scalar_prefetch = 0 : i64, scratch_operands = 0 : i64, tpu.core_type = #tpu.core_type<tc>, window_params = [{transform_indices = @transform_0, window_bounds = array<i64: 64, 16384>}, {transform_indices = @transform_1, window_bounds = array<i64: 16384, 128>}]} {
    %get3A = arith.constant 0 : index
    %get3A_0 = arith.constant 0 : index
    %get3A_1 = vector.load %arg1[%get3A, %get3A_0] : memref<64x16384xf32, #tpu.memory_space<vmem>>, vector<64x16384xf32>
    %transpose3A = tpu.transpose %get3A_1, [1, 0] : vector<64x16384xf32> -> vector<16384x64xf32>
    %swap3A = arith.constant 0 : index
    %swap3A_2 = arith.constant 0 : index
    %swap3A_3 = vector.load %arg2[%swap3A, %swap3A_2] : memref<16384x128xf32, #tpu.memory_space<vmem>>, vector<16384x64xf32>
    tpu.vector_store %arg2[%swap3A, %swap3A_2], %transpose3A {strides = array<i32>} : memref<16384x128xf32, #tpu.memory_space<vmem>>, vector<16384x64xf32>,
    return
  }
  func.func @transform_0(%arg0: i32) -> (i32, i32) {
    %c0_i32 = arith.constant 0 : i32
    %c0_i32_0 = arith.constant 0 : i32
    return %c0_i32, %arg0 : i32, i32
  }
  func.func @transform_1(%arg0: i32) -> (i32, i32) {
    %c0_i32 = arith.constant 0 : i32
    %c0_i32_0 = arith.constant 0 : i32
    return %arg0, %c0_i32 : i32, i32
  }
}

</mosaic_0001>

<sc_bundles>
// kernel: kernel.4.cloned.1.call-start
scs
__scs_entry_jumppad:
0x0: {  	(pc) =	sbr.rel $0x88, $3  }
0x1: {  	(tag) =	ssettag $0x0;
	lr =	simm.s32 $0x1  }
0x2: {  	[smem:$0x3F9F] =	sst lr;
	_ =	strace $0xD0000000  }
0x3: {  	_ = 	snop  }
0x4: {  	_ = 	snop  }
0x5: {  	_ = 	snop  }
0x6: {  	_ = 	snop  }
0x7: {  	_ = 	snop  }
__scs_overlays_trampoline_lowered:
0x8: {  	[smem:$0x3FAE] =	sst s0  }
0x9: {  	[smem:$0x3FAF] =	sst s1  }
0xa: {  	[smem:$0x3FB0] =	sst s2  }
0xb: {  	[smem:$0x3FB1] =	sst s3  }
0xc: {  	[smem:$0x3FB2] =	sst s4  }
0xd: {  	[smem:$0x3FB3] =	sst s5  }
0xe: {  	[smem:$0x3FB4] =	sst s6  }
0xf: {  	[smem:$0x3FB5] =	sst s7  }
0x10: {  	[smem:$0x3FB6] =	sst s8  }
0x11: {  	[smem:$0x3FB7] =	sst s9;
	s0 =	simm.s32 @!p0 $0x0  }
0x12: {  	s1 =	sld [smem:$0x3F9D];
	s0 =	simm.s32 @p0 $0x1  }
0x13: {  	[smem:$0x3FB8] =	sst s0;
	s0 =	simm.s32 @!p1 $0x0  }
0x14: {  	s2 =	sld [smem:$0x3F9C];
	s0 =	simm.s32 @p1 $0x1  }
0x15: {  	[smem:$0x3FB9] =	sst s0;
	s0 =	simm.s32 @!p2 $0x0  }
0x16: {  	s3 =	sld [smem:$0x3FDB];
	s0 =	simm.s32 @p2 $0x1  }
0x17: {  	s4 =	simm.s32 $0x1BF5;
	[smem:$0x3FBB] =	sst s0  }
0x18: {  	s0 =	sld [smem:$0x3F9E];
	_ =	swait.ge [sflag:s4], $0x0  }
0x19: {  	s7 =	sld [smem:$0x3F9F]  }
0x1a: {  	s8 =	sadd.s32 $0xFFFFE003, lr  }
0x1b: {  	s9 =	sadd.s32 $0xFFFFFEF7, lr;
	s5 =	simm.s32 $0xFFFFFFFF;
	p2 =	slt.u32 s8, $0xFFFFF086  }
0x1c: {  	p1 =	slt.u32 s9, $0xF7A;
	s5 =	simm.s32 @!p2 $0x0  }
0x1d: {  	s5 =	simm.s32 @p1 $0x1;
	p0 =	seq.s32 s7, s2  }
0x1e: {  	s7 =	smul.u32 @!p0 $0xF7A, s2;
	p2 =	seq.s32 @!p0 s5, $0x0  }
0x1f: {  	s9 =	smul.u32 $0xF7A, s1;
	s8 =	simm.s32 @!p0 $0x1BF5;
	p2 =	por !p2, p0  }
0x20: {  	[sflag:s8] =	ssyncset.s32 @!p0 $0xFFFFF086;
	s6 =	sadd.s32 @!p0 s3, s7;
	s7 =	simm.s32 @!p0 $0x108  }
0x21: {  	s3 =	sadd.s32 s3, s9;
	s6 =	sadd.s32 @!p0 $0x88, s6;
	s7 =	simm.s32 @p2 $0x1082  }
0x22: {  	[simem:s7], [sflag:s8] =	dma.local @!p0 [hbm:s6], $0xF7A  }
0x23: {  	s9 =	sor.u32 $0xD0000000, s2;
	s6 =	simm.s32 $0x108;
	_ =	swait.ge @!p0 [sflag:s8], $0x0  }
0x24: {  	s3 =	sadd.s32 $0x88, s3;
	s6 =	simm.s32 @!p1 $0x1082;
	[sflag:s4] =	ssyncset.s32 $0xFFFFF086  }
0x25: {  	[simem:s6], [sflag:s4] =	dma.local [hbm:s3], $0xF7A  }
0x26: {  	[smem:$0x3F9F] =	sst s1;
	(tag) =	ssettag s2;
	_ =	strace s9  }
0x27: {  	s1 =	sld [smem:$0x3FAF]  }
0x28: {  	s2 =	sld [smem:$0x3FB0]  }
0x29: {  	s4 =	sld [smem:$0x3FB2]  }
0x2a: {  	p0 =	seq.s32 s5, $0x0;
	s5 =	sld [smem:$0x3FB3]  }
0x2b: {  	s6 =	sld [smem:$0x3FB4]  }
0x2c: {  	s7 =	sld [smem:$0x3FB5]  }
0x2d: {  	s3 =	simm.s32 $0x108;
	s8 =	sld [smem:$0x3FB6]  }
0x2e: {  	s3 =	simm.s32 @!p0 $0x1082;
	s9 =	sld [smem:$0x3FB7]  }
0x2f: {  	lr =	sadd.s32 s0, s3;
	s0 =	sld [smem:$0x3FAE]  }
0x30: {  	s3 =	sld [smem:$0x3FB1]  }
0x31: {  	[smem:$0x3FBA] =	sst s10  }
0x32: {  	s10 =	sld [smem:$0x3FB8];
	_ =	sdelay $0x3  }
0x33: {  	p0 =	seq.s32 s10, $0x1;
	s10 =	sld [smem:$0x3FBA];
	_ =	sdelay $0x3  }
0x34: {  	[smem:$0x3FBA] =	sst s10  }
0x35: {  	s10 =	sld [smem:$0x3FB9];
	_ =	sdelay $0x3  }
0x36: {  	p1 =	seq.s32 s10, $0x1;
	s10 =	sld [smem:$0x3FBA];
	_ =	sdelay $0x3  }
0x37: {  	[smem:$0x3FBA] =	sst s10  }
0x38: {  	s10 =	sld [smem:$0x3FBB]  }
0x39: {  	_ = 	snop;
	(pc) =	sbr.ind lr, $3  }
0x3a: {  	_ = 	snop  }
0x3b: {  	_ = 	snop  }
0x3c: {  	p2 =	seq.s32 s10, $0x1;
	s10 =	sld [smem:$0x3FBA]  }
0x3d: {  	_ =	shalt  }
0x3e: {  	_ =	shalt  }
0x3f: {  	_ =	shalt  }
0x40: {  	_ =	shalt  }
0x41: {  	_ =	shalt  }
0x42: {  	_ =	shalt  }
0x43: {  	_ =	shalt  }
0x44: {  	_ =	shalt  }
0x45: {  	_ =	shalt  }
0x46: {  	_ =	shalt  }
0x47: {  	_ =	shalt  }
0x48: {  	_ =	shalt  }
0x49: {  	_ =	shalt  }
0x4a: {  	_ =	shalt  }
0x4b: {  	_ =	shalt  }
0x4c: {  	_ =	shalt  }
0x4d: {  	_ =	shalt  }
0x4e: {  	_ =	shalt  }
0x4f: {  	_ =	shalt  }
0x50: {  	_ =	shalt  }
0x51: {  	_ =	shalt  }
0x52: {  	_ =	shalt  }
0x53: {  	_ =	shalt  }
0x54: {  	_ =	shalt  }
0x55: {  	_ =	shalt  }
0x56: {  	_ =	shalt  }
0x57: {  	_ =	shalt  }
0x58: {  	_ =	shalt  }
0x59: {  	_ =	shalt  }
0x5a: {  	_ =	shalt  }
0x5b: {  	_ =	shalt  }
0x5c: {  	_ =	shalt  }
0x5d: {  	_ =	shalt  }
0x5e: {  	_ =	shalt  }
0x5f: {  	_ =	shalt  }
0x60: {  	_ =	shalt  }
0x61: {  	_ =	shalt  }
0x62: {  	_ =	shalt  }
0x63: {  	_ =	shalt  }
0x64: {  	_ =	shalt  }
0x65: {  	_ =	shalt  }
0x66: {  	_ =	shalt  }
0x67: {  	_ =	shalt  }
0x68: {  	_ =	shalt  }
0x69: {  	_ =	shalt  }
0x6a: {  	_ =	shalt  }
0x6b: {  	_ =	shalt  }
0x6c: {  	_ =	shalt  }
0x6d: {  	_ =	shalt  }
0x6e: {  	_ =	shalt  }
0x6f: {  	_ =	shalt  }
0x70: {  	_ =	shalt  }
0x71: {  	_ =	shalt  }
0x72: {  	_ =	shalt  }
0x73: {  	_ =	shalt  }
0x74: {  	_ =	shalt  }
0x75: {  	_ =	shalt  }
0x76: {  	_ =	shalt  }
0x77: {  	_ =	shalt  }
0x78: {  	_ =	shalt  }
0x79: {  	_ =	shalt  }
0x7a: {  	_ =	shalt  }
0x7b: {  	_ =	shalt  }
0x7c: {  	_ =	shalt  }
0x7d: {  	_ =	shalt  }
0x7e: {  	_ =	shalt  }
0x7f: {  	_ =	shalt  }
0x80: {  	_ =	shalt  }
0x81: {  	_ =	shalt  }
0x82: {  	_ =	shalt  }
0x83: {  	_ =	shalt  }
0x84: {  	_ =	shalt  }
0x85: {  	_ =	shalt  }
0x86: {  	_ =	shalt  }
0x87: {  	_ =	shalt  }
.Lfunc_end0:
.L_simem_size_0:
called_computation.1_lowered:
.L_overlay_start_0:
0x88: {  	s2 =	sld [smem:$0x3FD9]  }
0x89: {  	s3 =	sld [smem:$0x3FFE];
	_ =	sdelay $0x1  }
0x8a: {  	s1 =	srdreg.scid  }
0x8b: {  	s0 =	sand.u32 $0x1, s1  }
0x8c: {  	s17 =	sshll.u32 s0, $0xA;
	s2 =	sadd.s32 s3, s2  }
0x8d: {  	s2 =	sadd.s32 s2, s17  }
0x8e: {  	[smem:$0x3FC6] =	sst s2  }
0x8f: {  	_ = 	snop  }
0x90: {  	s2 =	sld [smem:$0x3FD0];
	(tm) =	ssettm $0x1  }
0x91: {  	s18 =	sld [smem:$0x3FFB];
	_ =	sdelay $0x3  }
0x92: {  	_ =	strace s18  }
0x93: {  	s3 =	sld [smem:$0x3FFC];
	_ =	sdelay $0x3  }
0x94: {  	_ =	strace s3  }
0x95: {  	s3 =	sld [smem:$0x3FFD];
	_ =	sdelay $0x3  }
0x96: {  	_ =	strace s3  }
0x97: {  	_ =	strace $0x8FFFFFFF  }
0x98: {  	s19 =	sld [smem:$0x3FDB];
	_ =	sdelay $0x1  }
0x99: {  	s4 =	simm.s32 $_scs_section_size  }
0x9a: {  	s5 =	simm.s32 $_size__tile_overlayer_lowered;
	s6 =	simm.s32 $_tile_overlayer_lowered  }
0x9b: {  	s22 =	simm.s32 $0x1BFF;
	s21 =	sshll.u32 s6, $0x1;
	s3 =	sadd.s32 s4, s19  }
0x9c: {  	s7 =	simm.s32 $0x0;
	s20 =	sshll.u32 s5, $0x1;
	s5 =	sadd.s32 s21, s3  }
0x9d: {  	[timem:s7], [sflag:s22] =	dma.local [hbm:s5], s20  }
0x9e: {  	_ =	swait.ge [sflag:s22], s20  }
0x9f: {  	s4 =	ssub.s32 $0x0, s20;
	[sflag:s22] =	ssyncset.done $0x0  }
0xa0: {  	[sflag:s22] =	ssyncadd.s32 s4;
	_ =	sdelay $0x1  }
0xa1: {  	s23 =	simm.s32 $0x1B8B  }
0xa2: {  	_ =	swait.ge [sflag:s23], $0x1  }
0xa3: {  	[sflag:s23] =	ssyncset.done $0x0  }
0xa4: {  	s25 =	simm.s32 $0x1B8E;
	s24 =	sld [smem:$0x3FFE];
	[sflag:s23] =	ssyncadd.s32 $0xFFFFFFFF  }
0xa5: {  	s26 =	simm.s32 $execute0_lowered;
	[smem:$0x3FD2] =	sst s25  }
0xa6: {  	s5 =	sshll.u32 s26, $0x1;
	_ =	strace $0x80000046;
	[dreg:$0x1] =	wrdreg $0xFFFFFFFF  }
0xa7: {  	s28 =	simm.s32 $_size_execute0_lowered;
	s3 =	sadd.s32 s3, s5;
	[dreg:$0x0] =	wrdreg $0x0  }
0xa8: {  	s5 =	sshll.u32 s28, $0x1;
	[dreg:$0x2] =	wrdreg s3  }
0xa9: {  	[dreg:$0x3] =	wrdreg s5  }
0xaa: {  	[dreg:$0x4] =	wrdreg $0xC0  }
0xab: {  	_ =	task [dreg:s7], $0x5FFFF  }
0xac: {  	[dreg:$0x1] =	wrdreg $0xFFFFFFFF  }
0xad: {  	[dreg:$0x0] =	wrdreg $0x60  }
0xae: {  	[dreg:$0x2] =	wrdreg s2  }
0xaf: {  	[dreg:$0x3] =	wrdreg s24  }
0xb0: {  	[dreg:$0x4] =	wrdreg $0x9  }
0xb1: {  	_ =	task.clear_ibuf [dreg:s7], $0x5FFFF;
	_ =	strace $0x90000046  }
0xb2: {  	s29 =	simm.s32 $0x9;
	_ =	strace $0x80000048  }
0xb3: {  	_ =	swait.ge [sflag:s29], $0x1  }
0xb4: {  	[sflag:s29] =	ssyncadd.s32 $0xFFFFFFFF  }
0xb5: {  	_ =	strace $0x90000048  }
0xb6: {  	_ =	sfence  }
0xb7: {  	s30 =	sld [smem:$0x0];
	_ =	sdelay $0x2  }
0xb8: {  	s31 =	sshll.u32 s1, $0xD;
	s1 =	sshrl.u32 s1, $0x2  }
0xb9: {  	s3 =	sand.u32 $0x4000, s31;
	s1 =	sadd.s32 s1, s30  }
0xba: {  	s0 =	sor.u32 s3, s0;
	s1 =	sshll.u32 s1, $0x11  }
0xbb: {  	s0 =	sor.u32 s1, s0  }
0xbc: {  	s0 =	sadd.s32 $0x8F2B, s0  }
0xbd: {  	[sflag:s0] =	ssyncadd.remote.s32 $0x1  }
0xbe: {  	_ =	sfence.sel $0xFFFF  }
0xbf: {  	[dreg:$0x0] =	wrdreg $0xFFFFFFFF;
	(pc) =	sbr.abs _section_cstart, $3  }
0xc0: {  	[dreg:$0x1] =	wrdreg $0xFFFFFFFF  }
0xc1: {  	_ =	task.clear_ibuf [dreg:s7], $0x2FFFF;
	_ =	strace $0x9FFFFFFF  }
0xc2: {  	(tm) =	ssettm $0x7FFFFFFF  }
0xc3: {  	_ =	shalt  }
tec
execute0_lowered:
.L_overlay_start_1:
0x0: {  	(tag) =	ssettag $0x1  }
0x1: {  	s0 =	rddreg [dreg:$0x0]  }
0x2: {  	s1 =	rddreg [dreg:$0x1]  }
0x3: {  	s5 =	stileid.u32;
	s2 =	srdreg.scid;
	s9 =	simm.s32 $0x9600  }
0x4: {  	s10 =	simm.s32 $0xC800;
	s11 =	simm.s32 $0xFA00;
	s12 =	simm.s32 $0x80  }
0x5: {  	s14 =	simm.s32 $0x47;
	s21 =	simm.s32 $0xC840;
	s23 =	simm.s32 $0xE840  }
0x6: {  	s28 =	simm.s32 $0x11A40;
	s29 =	simm.s32 $0x2;
	s30 =	simm.s32 $0x3  }
0x7: {  	s31 =	simm.s32 $0x4;
	s13 =	simm.s32 $0x7;
	s15 =	simm.s32 $0x8  }
0x8: {  	s16 =	simm.s32 $0x0;
	s3 =	sand.u32 $0x1, s2;
	s4 =	sshll.u32 s5, $0x1  }
0x9: {  	s2 =	simm.s32 $0x0;
	s5 =	smul.u32 $0xC8000, s5;
	s4 =	sor.u32 s3, s4  }
0xa: {  	[smem:$0x7FF] =	sst s2;
	s6 =	ssub.s32 $0x2, s3;
	s8 =	smul.u32 $0x64000, s3  }
0xb: {  	s3 =	sadd.s32 $0x800, s1;
	s4 =	smul.u32 $0xC80, s4;
	s7 =	sshrl.u32 s6, $0x1  }
0xc: {  	_ =	strace $0x80000047;
	s1 =	sadd.s32 s5, s1;
	s24 =	ssub.s32 s6, s7  }
.Ltmp0:
0xd: {  	s26 =	sadd.s32 s8, s1;
	s7 =	simm.s32 $0x9;
	(pc) =	sbr.rel .LBB2_1-.Ltmp0, $4  }
0xe: {  	s8 =	simm.s32 $0x6400;
	s1 =	simm.s32 $0x6;
	s0 =	sadd.s32 s0, s4  }
0xf: {  	s25 =	smax.u32 s24, $0x1;
	s24 =	simm.s32 $0x1;
	[dreg:$0x3] =	wrdreg s0  }
0x10: {  	[dreg:$0x4] =	wrdreg s25;
	s0 =	sadd.s32 $0xF42C00, s26;
	s25 =	simm.s32 $0x40  }
0x11: {  	s26 =	simm.s32 $0xFA40;
	[dreg:$0x5] =	wrdreg s0;
	s0 =	simm.s32 $0x5  }
.LBB2_4:
0x12: {  	_ =	swait.ge [sflag:s0], $0x3200  }
0x13: {  	[sflag:s0] =	ssyncset.done $0x0  }
0x14: {  	[sflag:s0] =	ssyncadd.s32 $0xFFFFCE00  }
0x15: {  	_ =	swait.ge [sflag:s1], $0x3200  }
0x16: {  	[sflag:s1] =	ssyncset.done $0x0  }
0x17: {  	[sflag:s1] =	ssyncadd.s32 $0xFFFFCE00  }
0x18: {  	_ =	swait.ge [sflag:s13], $0x3200  }
0x19: {  	[sflag:s13] =	ssyncset.done $0x0  }
0x1a: {  	[sflag:s13] =	ssyncadd.s32 $0xFFFFCE00  }
0x1b: {  	_ =	swait.ge [sflag:s15], $0x3200  }
0x1c: {  	s16 =	sadd.s32 $0x1, s16;
	s4 =	rddreg [dreg:$0x4]  }
0x1d: {  	p0 =	sne.s32 s16, s4  }
.Ltmp1:
0x1e: {  	_ = 	snop;
	(pc) =	sbr.rel @!p0 .LBB2_5-.Ltmp1, $3  }
0x1f: {  	_ =	sdelay $0x1  }
0x20: {  	[sflag:s15] =	ssyncset.done $0x0  }
0x21: {  	[sflag:s15] =	ssyncadd.s32 $0xFFFFCE00  }
.LBB2_1:
0x22: {  	s4 =	rddreg [dreg:$0x3]  }
0x23: {  	[tilespmem:s2], [sflag:$0x9] =	stream.linear.gather [hbm4b:s4+s2], $0x6400, $0x38;
	[tilespmem:$0x12C00] =	vst v63  }
0x24: {  	_ =	swait.ge [sflag:s7], $0x6400  }
0x25: {  	[sflag:s7] =	ssyncset.done $0x0  }
0x26: {  	[sflag:s7] =	ssyncadd.s32 $0xFFFF9C00  }
0x27: {  	[tilespmem:s8], [sflag:$0x9] =	stream.linear.gather [hbm4b:s3+s2], $0x200, $0x38;
	[tilespmem:$0x12C00] =	vst v63  }
0x28: {  	_ =	swait.ge [sflag:s7], $0x200  }
0x29: {  	[sflag:s7] =	ssyncset.done $0x0  }
0x2a: {  	[sflag:s7] =	ssyncadd.s32 $0xFFFFFE00  }
0x2b: {  	[tilespmem:s9], [sflag:$0x9] =	stream.linear.gather [hbm4b:s3+s2], $0x200, $0x38;
	[tilespmem:$0x12C00] =	vst v63  }
0x2c: {  	_ =	swait.ge [sflag:s7], $0x200  }
0x2d: {  	[sflag:s7] =	ssyncset.done $0x0  }
0x2e: {  	[sflag:s7] =	ssyncadd.s32 $0xFFFFFE00  }
0x2f: {  	[tilespmem:s10], [sflag:$0x9] =	stream.linear.gather [hbm4b:s3+s2], $0x200, $0x38;
	[tilespmem:$0x12C00] =	vst v63  }
0x30: {  	_ =	swait.ge [sflag:s7], $0x200  }
0x31: {  	[sflag:s7] =	ssyncset.done $0x0  }
0x32: {  	[sflag:s7] =	ssyncadd.s32 $0xFFFFFE00  }
0x33: {  	[tilespmem:s11], [sflag:$0x9] =	stream.linear.gather [hbm4b:s3+s2], $0x200, $0x38;
	[tilespmem:$0x12C00] =	vst v63  }
0x34: {  	_ =	swait.ge [sflag:s7], $0x200  }
0x35: {  	[sflag:s7] =	ssyncset.done $0x0  }
0x36: {  	s5 =	simm.s32 $0x6440;
	[sflag:s7] =	ssyncadd.s32 $0xFFFFFE00  }
0x37: {  	[tilespmem:s5], [sflag:$0x1] =	stream.indirect.gather [hbm4b:s3+s12], $0x40, s2, s12, $0xb8;
	[tilespmem:$0x12C00] =	vst v63  }
0x38: {  	s6 =	simm.s32 $0x8440  }
0x39: {  	[tilespmem:s6], [sflag:$0x1] =	stream.indirect.gather [hbm4b:s3+s14], $0x40, s12, s14, $0xb8;
	[tilespmem:$0x12C00] =	vst v63  }
0x3a: {  	s17 =	simm.s32 $0xC8;
	s5 =	simm.s32 $0x9640  }
0x3b: {  	[tilespmem:s5], [sflag:$0x2] =	stream.indirect.gather [hbm4b:s3+s12], $0x40, s17, s12, $0xb8;
	[tilespmem:$0x12C00] =	vst v63  }
0x3c: {  	s18 =	simm.s32 $0x148;
	s19 =	simm.s32 $0xB640  }
0x3d: {  	[tilespmem:s19], [sflag:$0x2] =	stream.indirect.gather [hbm4b:s3+s14], $0x40, s18, s14, $0xb8;
	[tilespmem:$0x12C00] =	vst v63  }
0x3e: {  	s20 =	simm.s32 $0x190  }
0x3f: {  	[tilespmem:s21], [sflag:$0x3] =	stream.indirect.gather [hbm4b:s3+s12], $0x40, s20, s12, $0xb8;
	[tilespmem:$0x12C00] =	vst v63  }
0x40: {  	s22 =	simm.s32 $0x210;
	s6 =	rddreg [dreg:$0x5];
	s18 =	simm.s32 $0x0  }
0x41: {  	[tilespmem:s23], [sflag:$0x3] =	stream.indirect.gather [hbm4b:s3+s14], $0x40, s22, s14, $0xb8;
	[tilespmem:$0x12C00] =	vst v63  }
.LBB2_2:
0x42: {  	_ =	swait.ge [sflag:s24], $0x2000  }
0x43: {  	[sflag:s24] =	ssyncset.done $0x0  }
0x44: {  	[sflag:s24] =	ssyncadd.s32 $0xFFFFE000  }
0x45: {  	_ =	swait.ge [sflag:s24], $0x11C0  }
0x46: {  	p0 =	seq.s32 s18, $0x0;
	[sflag:s24] =	ssyncset.done $0x0  }
0x47: {  	s20 =	simm.s32 @!p0 $0x8;
	[sflag:s24] =	ssyncadd.s32 $0xFFFFEE40  }
0x48: {  	[hbm4b:s6+s25] =	stream.strided.scatter [tilespmem:s8], [sflag:$0x5], $0x3200, s12, s25, $0x38;
	[tilespmem:$0x12C00] =	vst v63  }
0x49: {  	_ =	swait.ge @!p0 [sflag:s20], $0x3200  }
0x4a: {  	s19 =	sshra.s32 s18, $0x2;
	[sflag:s20] =	ssyncset.done @!p0 $0x0  }
0x4b: {  	s22 =	sadd.s32 $0x258, s19;
	[sflag:s20] =	ssyncadd.s32 @!p0 $0xFFFFCE00  }
0x4c: {  	[tilespmem:s26], [sflag:$0x4] =	stream.indirect.gather [hbm4b:s3+s12], $0x40, s22, s12, $0xb8;
	[tilespmem:$0x12C00] =	vst v63  }
0x4d: {  	s4 =	sadd.s32 $0x2D8, s19  }
0x4e: {  	[tilespmem:s28], [sflag:$0x4] =	stream.indirect.gather [hbm4b:s3+s14], $0x40, s4, s14, $0xb8;
	[tilespmem:$0x12C00] =	vst v63  }
0x4f: {  	_ =	swait.ge [sflag:s29], $0x2000  }
0x50: {  	[sflag:s29] =	ssyncset.done $0x0  }
0x51: {  	[sflag:s29] =	ssyncadd.s32 $0xFFFFE000  }
0x52: {  	_ =	swait.ge [sflag:s29], $0x11C0  }
0x53: {  	p0 =	seq.s32 s18, $0x18380;
	[sflag:s29] =	ssyncset.done $0x0  }
0x54: {  	s5 =	sadd.s32 $0xC80, s6;
	s20 =	simm.s32 @!p0 $0x5;
	[sflag:s29] =	ssyncadd.s32 $0xFFFFEE40  }
0x55: {  	[hbm4b:s5+s25] =	stream.strided.scatter [tilespmem:s9], [sflag:$0x6], $0x3200, s12, s25, $0x38;
	[tilespmem:$0x12C00] =	vst v63  }
0x56: {  	_ =	swait.ge @!p0 [sflag:s20], $0x3200  }
0x57: {  	[sflag:s20] =	ssyncset.done @!p0 $0x0  }
0x58: {  	[sflag:s20] =	ssyncadd.s32 @!p0 $0xFFFFCE00;
	s20 =	sshra.s32 @!p0 s18, $0x2  }
0x59: {  	s4 =	simm.s32 @!p0 $0x80;
	s5 =	simm.s32 @!p0 $0x6440;
	s22 =	sadd.s32 @!p0 $0x320, s20  }
0x5a: {  	[tilespmem:s5], [sflag:$0x1] =	stream.indirect.gather @!p0 [hbm4b:s3+s4], $0x40, s22, s4, $0xb8;
	[tilespmem:$0x12C00] =	vst v63  }
0x5b: {  	s17 =	simm.s32 @!p0 $0x8440;
	s5 =	sadd.s32 @!p0 $0x3A0, s20;
	s22 =	simm.s32 @!p0 $0x47  }
0x5c: {  	[tilespmem:s17], [sflag:$0x1] =	stream.indirect.gather @!p0 [hbm4b:s3+s22], $0x40, s5, s22, $0xb8;
	[tilespmem:$0x12C00] =	vst v63  }
0x5d: {  	_ =	swait.ge [sflag:s30], $0x2000  }
0x5e: {  	[sflag:s30] =	ssyncset.done $0x0  }
0x5f: {  	[sflag:s30] =	ssyncadd.s32 $0xFFFFE000  }
0x60: {  	_ =	swait.ge [sflag:s30], $0x11C0  }
0x61: {  	[sflag:s30] =	ssyncset.done $0x0  }
0x62: {  	s17 =	sadd.s32 $0x1900, s6;
	s5 =	simm.s32 @!p0 $0x6;
	[sflag:s30] =	ssyncadd.s32 $0xFFFFEE40  }
0x63: {  	[hbm4b:s17+s25] =	stream.strided.scatter [tilespmem:s10], [sflag:$0x7], $0x3200, s12, s25, $0x38;
	[tilespmem:$0x12C00] =	vst v63  }
0x64: {  	_ =	swait.ge @!p0 [sflag:s5], $0x3200  }
0x65: {  	[sflag:s5] =	ssyncset.done @!p0 $0x0  }
0x66: {  	s17 =	simm.s32 @!p0 $0x9640;
	[sflag:s5] =	ssyncadd.s32 @!p0 $0xFFFFCE00;
	s5 =	sadd.s32 @!p0 $0x3E8, s20  }
0x67: {  	[tilespmem:s17], [sflag:$0x2] =	stream.indirect.gather @!p0 [hbm4b:s3+s4], $0x40, s5, s4, $0xb8;
	[tilespmem:$0x12C00] =	vst v63  }
0x68: {  	s4 =	sadd.s32 @!p0 $0x468, s20;
	s5 =	simm.s32 @!p0 $0xB640  }
0x69: {  	[tilespmem:s5], [sflag:$0x2] =	stream.indirect.gather @!p0 [hbm4b:s3+s22], $0x40, s4, s22, $0xb8;
	[tilespmem:$0x12C00] =	vst v63  }
0x6a: {  	_ =	swait.ge [sflag:s31], $0x2000  }
0x6b: {  	[sflag:s31] =	ssyncset.done $0x0  }
.Ltmp2:
0x6c: {  	[sflag:s31] =	ssyncadd.s32 $0xFFFFE000;
	(pc) =	sbr.rel @p0 .LBB2_4-.Ltmp2, $4  }
0x6d: {  	_ =	swait.ge [sflag:s31], $0x11C0  }
0x6e: {  	[sflag:s31] =	ssyncset.done $0x0  }
0x6f: {  	s22 =	sadd.s32 $0x2580, s6;
	[sflag:s31] =	ssyncadd.s32 $0xFFFFEE40  }
0x70: {  	[hbm4b:s22+s25] =	stream.strided.scatter [tilespmem:s11], [sflag:$0x8], $0x3200, s12, s25, $0x38;
	[tilespmem:$0x12C00] =	vst v63  }
0x71: {  	_ =	swait.ge [sflag:s13], $0x3200  }
.Ltmp3:
0x72: {  	[sflag:s13] =	ssyncset.done $0x0;
	(pc) =	sbr.rel .LBB2_2-.Ltmp3, $4  }
0x73: {  	s4 =	sadd.s32 $0x4B0, s19;
	[sflag:s13] =	ssyncadd.s32 $0xFFFFCE00  }
0x74: {  	[tilespmem:s21], [sflag:$0x3] =	stream.indirect.gather [hbm4b:s3+s12], $0x40, s4, s12, $0xb8;
	[tilespmem:$0x12C00] =	vst v63  }
0x75: {  	s22 =	sadd.s32 $0x530, s19;
	s18 =	sadd.s32 $0xC80, s18;
	s6 =	sadd.s32 $0x3200, s6  }
0x76: {  	[tilespmem:s23], [sflag:$0x3] =	stream.indirect.gather [hbm4b:s3+s14], $0x40, s22, s14, $0xb8;
	[tilespmem:$0x12C00] =	vst v63  }
.LBB2_5:
0x77: {  	_ =	sfence.sel $0x180000  }
0x78: {  	[bflag:$0x0] =	sbarrier.arrive $0xFFFF  }
0x79: {  	_ =	strace $0x90000047  }
0x7a: {  	s0 =	stileid.u32;
	[bflag:$0x2] =	sbarrier.arrive $0xFFFF  }
0x7b: {  	p0 =	sne.s32 s0, $0x0;
	s0 =	rddreg [dreg:$0x2]  }
0x7c: {  	s0 =	sadd.s32 @!p0 $0x100000, s0  }
0x7d: {  	[sflag:s0] =	ssyncadd.tile.s32 @!p0 $0x1;
	_ =	shalt  }
.Lfunc_end2:
_tile_overlayer_lowered:
.L_overlay_start_2:
0x7e: {  	(tag) =	ssettag $0x2  }
0x7f: {  	s0 =	rddreg [dreg:$0x0];
	s2 =	stileid.u32  }
0x80: {  	s1 =	rddreg [dreg:$0x1];
	p0 =	sne.s32 s2, $0x0  }
0x81: {  	s3 =	rddreg [dreg:$0x2];
	[bflag:$0x3] =	sbarrier.arrive $0xFFFF;
	s2 =	simm.s32 @!p0 $0x1C09  }
0x82: {  	[timem:s3], [sflag:s2] =	dma.local @!p0 [hbm:s0], s1  }
0x83: {  	s0 =	simm.s32 @!p0 $0x9  }
0x84: {  	_ =	swait.ge @!p0 [sflag:s0], s1  }
0x85: {  	s1 =	ssub.s32 @!p0 $0x0, s1;
	[sflag:s0] =	ssyncset.done @!p0 $0x0  }
0x86: {  	[sflag:s0] =	ssyncadd.s32 @!p0 s1  }
0x87: {  	[bflag:$0x3] =	sbarrier.arrive $0xFFFF  }
0x88: {  	_ =	shalt  }

// kernel: sparse-core-data-format-call.cloned.1.call-start
scs
called_computation_lowered:
.L_overlay_start_0:
0x0: {  	s2 =	sld [smem:$0x3FD9]  }
0x1: {  	s3 =	sld [smem:$0x3FFE];
	_ =	sdelay $0x1  }
0x2: {  	s1 =	srdreg.scid  }
0x3: {  	s0 =	sand.u32 $0x1, s1  }
0x4: {  	s18 =	sshll.u32 s0, $0xA;
	s2 =	sadd.s32 s3, s2  }
0x5: {  	s2 =	sadd.s32 s2, s18  }
0x6: {  	[smem:$0x3FC6] =	sst s2  }
0x7: {  	_ = 	snop  }
0x8: {  	s2 =	sld [smem:$0x3FD0];
	(tm) =	ssettm $0x1  }
0x9: {  	s19 =	sld [smem:$0x3FFB];
	_ =	sdelay $0x3  }
0xa: {  	_ =	strace s19  }
0xb: {  	s3 =	sld [smem:$0x3FFC];
	_ =	sdelay $0x3  }
0xc: {  	_ =	strace s3  }
0xd: {  	s3 =	sld [smem:$0x3FFD];
	_ =	sdelay $0x3  }
0xe: {  	_ =	strace s3  }
0xf: {  	_ =	strace $0x8FFFFFFF  }
0x10: {  	s20 =	sld [smem:$0x3FDB];
	_ =	sdelay $0x1  }
0x11: {  	s4 =	simm.s32 $_scs_section_size  }
0x12: {  	s5 =	simm.s32 $_size__tile_overlayer_lowered;
	s6 =	simm.s32 $_tile_overlayer_lowered  }
0x13: {  	s23 =	simm.s32 $0x1BFF;
	s22 =	sshll.u32 s6, $0x1;
	s3 =	sadd.s32 s4, s20  }
0x14: {  	s7 =	simm.s32 $0x0;
	s21 =	sshll.u32 s5, $0x1;
	s5 =	sadd.s32 s22, s3  }
0x15: {  	[timem:s7], [sflag:s23] =	dma.local [hbm:s5], s21  }
0x16: {  	_ =	swait.ge [sflag:s23], s21  }
0x17: {  	s4 =	ssub.s32 $0x0, s21;
	[sflag:s23] =	ssyncset.done $0x0  }
0x18: {  	[sflag:s23] =	ssyncadd.s32 s4;
	_ =	sdelay $0x1  }
0x19: {  	s24 =	simm.s32 $0x1B8B  }
0x1a: {  	_ =	swait.ge [sflag:s24], $0x1  }
0x1b: {  	[sflag:s24] =	ssyncset.done $0x0  }
0x1c: {  	s26 =	simm.s32 $0x1B8E;
	s25 =	sld [smem:$0x3FFE];
	[sflag:s24] =	ssyncadd.s32 $0xFFFFFFFF  }
0x1d: {  	s27 =	simm.s32 $execute0_lowered;
	[smem:$0x3FD2] =	sst s26  }
0x1e: {  	s5 =	sshll.u32 s27, $0x1;
	_ =	strace $0x80000049;
	[dreg:$0x1] =	wrdreg $0xFFFFFFFF  }
0x1f: {  	s28 =	simm.s32 $_size_execute0_lowered;
	s3 =	sadd.s32 s3, s5;
	[dreg:$0x0] =	wrdreg $0x0  }
0x20: {  	s5 =	sshll.u32 s28, $0x1;
	[dreg:$0x2] =	wrdreg s3  }
0x21: {  	[dreg:$0x3] =	wrdreg s5  }
0x22: {  	[dreg:$0x4] =	wrdreg $0xC0  }
0x23: {  	_ =	task [dreg:s7], $0x5FFFF  }
0x24: {  	[dreg:$0x1] =	wrdreg $0xFFFFFFFF  }
0x25: {  	[dreg:$0x0] =	wrdreg $0x60  }
0x26: {  	[dreg:$0x2] =	wrdreg s25  }
0x27: {  	[dreg:$0x3] =	wrdreg s2  }
0x28: {  	[dreg:$0x4] =	wrdreg $0x9  }
0x29: {  	_ =	task.clear_ibuf [dreg:s7], $0x5FFFF;
	_ =	strace $0x90000049  }
0x2a: {  	s29 =	simm.s32 $0x9;
	_ =	strace $0x8000004B  }
0x2b: {  	_ =	swait.ge [sflag:s29], $0x1  }
0x2c: {  	[sflag:s29] =	ssyncadd.s32 $0xFFFFFFFF  }
0x2d: {  	_ =	strace $0x9000004B  }
0x2e: {  	_ =	sfence  }
0x2f: {  	s30 =	sld [smem:$0x0];
	_ =	sdelay $0x2  }
0x30: {  	s31 =	sshll.u32 s1, $0xD;
	s1 =	sshrl.u32 s1, $0x2  }
0x31: {  	s3 =	sand.u32 $0x4000, s31;
	s1 =	sadd.s32 s1, s30  }
0x32: {  	s0 =	sor.u32 s3, s0;
	s1 =	sshll.u32 s1, $0x11  }
0x33: {  	s0 =	sor.u32 s1, s0  }
0x34: {  	s0 =	sadd.s32 $0x8F2B, s0  }
0x35: {  	[sflag:s0] =	ssyncadd.remote.s32 $0x1  }
0x36: {  	_ =	sfence.sel $0xFFFF  }
0x37: {  	[dreg:$0x0] =	wrdreg $0xFFFFFFFF;
	(pc) =	sbr.abs _section_cstart, $3  }
0x38: {  	[dreg:$0x1] =	wrdreg $0xFFFFFFFF  }
0x39: {  	_ =	task.clear_ibuf [dreg:s7], $0x2FFFF;
	_ =	strace $0x9FFFFFFF  }
0x3a: {  	(tm) =	ssettm $0x7FFFFFFF  }
0x3b: {  	_ =	shalt  }
tec
execute0_lowered:
.L_overlay_start_1:
0x0: {  	(tag) =	ssettag $0x1  }
0x1: {  	s0 =	srdreg.scid  }
0x2: {  	s1 =	sshll.u32 s0, $0x4  }
0x3: {  	s0 =	stileid.u32;
	s1 =	sand.u32 $0x10, s1  }
0x4: {  	s1 =	sor.u32 s0, s1  }
0x5: {  	s6 =	rddreg [dreg:$0x0];
	s4 =	simm.s32 $0x1;
	s2 =	sshll.u32 s1, $0x7  }
0x6: {  	s7 =	simm.s32 $0x2;
	s12 =	simm.s32 $0x0;
	s1 =	ssub.s32 $0x1000, s2  }
0x7: {  	s8 =	simm.s32 $0x8000;
	s13 =	simm.s32 $0x0;
	s3 =	sand.u32 $0xF80, s1  }
0x8: {  	s9 =	simm.s32 $0x0;
	s5 =	sshrl.u32 s1, $0xC;
	p0 =	sne.s32 s3, $0x0  }
.Ltmp0:
0x9: {  	s1 =	rddreg [dreg:$0x2];
	s4 =	simm.s32 @!p0 $0x0;
	(pc) =	sbr.rel .LBB1_1-.Ltmp0, $4  }
0xa: {  	s11 =	simm.s32 $0x0;
	s3 =	rddreg [dreg:$0x1];
	s5 =	sadd.s32 s4, s5  }
0xb: {  	_ =	strace $0x8000004A;
	s4 =	simm.s32 $0x1;
	s5 =	smul.u32 $0xC8, s5  }
0xc: {  	s6 =	sadd.s32 $0xF42C00, s6;
	s10 =	smov.u32 s2;
	[sflag:s4] =	ssyncpa.u1 $0x0  }
0xd: {  	p0 =	por $0x0, $0x0;
	[sflag:s7] =	ssyncpa.u1 $0x0;
	s7 =	sor.u32 $0x1, s5  }
.LBB1_4:
0xe: {  	s16 =	sshll.u32 s13, $0x3;
	s17 =	sand.u32 $0x78, s13  }
0xf: {  	s30 =	sand.u32 $0x7E00, s13;
	s12 =	sshll.u32 s12, $0xF;
	s16 =	sand.u32 $0xC00, s16  }
0x10: {  	[tilespmem:s15+$0x810 ss:$0x81] =	vst.msk $0xffff, v2;
	s31 =	sand.u32 $0x7, s13;
	s16 =	sor.u32 s17, s16;
	s17 =	sadd.s32 s3, s30  }
0x11: {  	[tilespmem:s15+$0x1020 ss:$0x81] =	vst.msk $0xffff, v0;
	s13 =	sshll.u32 s31, $0x12;
	s12 =	sadd.s32 s12, s17;
	s16 =	sshrl.u32 s16, $0x3  }
0x12: {  	[tilespmem:s15+$0x0 ss:$0x81] =	vst.msk $0xffff, v1;
	s13 =	sor.u32 $0x400, s13;
	s12 =	sadd.s32 s16, s12  }
0x13: {  	[hbm4b:s12+s13] =	stream.strided.scatter [tilespmem:s14], [sflag:$0x2], $0x2000, s8, s13, $0x20;
	[tilespmem:$0x8080] =	vst v63  }
.LBB1_5:
0x14: {  	s14 =	sadd.s32 $0x1, s9  }
0x15: {  	s12 =	sadd.s32 $0x1000, s10;
	s16 =	smov.u32 s10;
	p2 =	sgt.s32 s14, $0xC7  }
0x16: {  	s16 =	smov.u32 @p2 s12  }
0x17: {  	s14 =	simm.s32 @p2 $0x0;
	p2 =	sgt.s32 s16, $0xFFF  }
0x18: {  	s16 =	smov.u32 @p2 s2;
	p2 =	sne.s32 s11, s7  }
.Ltmp1:
0x19: {  	p1 =	slt.u32 s11, $0x2;
	(pc) =	sbr.rel @!p2 .LBB1_6-.Ltmp1, $4  }
0x1a: {  	s15 =	simm.s32 @!p1 $0x2  }
0x1b: {  	s13 =	smov.u32 s10;
	p0 =	por !p0, !p0;
	_ =	swait.ge @!p1 [sflag:s15], $0x2000  }
0x1c: {  	s12 =	smov.u32 s9;
	[sflag:s15] =	ssyncset.done @!p1 $0x0;
	s9 =	smov.u32 s14  }
0x1d: {  	s11 =	sadd.s32 $0x1, s11;
	[sflag:s15] =	ssyncadd.s32 @!p1 $0xFFFFE000;
	s10 =	smov.u32 s16  }
.LBB1_1:
0x1e: {  	p1 =	sge.u32 s11, s5  }
0x1f: {  	s14 =	sand.u32 @!p1 $0x1FFFFFF, s9  }
0x20: {  	s15 =	smulhi.u32 @!p1 $0x147AE15, s14;
	_ =	sdelay $0x1  }
0x21: {  	s15 =	smul.u32 @!p1 $0xC8, s15  }
0x22: {  	s16 =	sxor.u32 @!p1 $0xFFFFFFFF, s11;
	s17 =	smul.u32 @!p1 $0xC80, s10  }
0x23: {  	s31 =	sadd.s32 $0xFFFFFFFF, s11;
	s16 =	sshll.u32 @!p1 s16, $0xD;
	s14 =	ssub.s32 @!p1 s14, s15  }
0x24: {  	s15 =	sand.u32 @!p1 $0x2000, s16;
	s16 =	sadd.s32 @!p1 s6, s17;
	s14 =	sshll.u32 @!p1 s14, $0x4  }
0x25: {  	s17 =	simm.s32 @!p1 $0x6400;
	s14 =	sadd.s32 @!p1 s14, s16;
	s16 =	simm.s32 @!p1 $0x40  }
0x26: {  	[tilespmem:s15], [sflag:$0x1] =	stream.strided.gather @!p1 [hbm4b:s14+s16], $0x2000, s17, s16, $0x38;
	[tilespmem:$0x8080] =	vst v63  }
0x27: {  	p1 =	sge.u32 s31, s5  }
.Ltmp2:
0x28: {  	_ = 	snop;
	(pc) =	sbr.rel @p1 .LBB1_5-.Ltmp2, $1  }
0x29: {  	_ =	sdelay $0x3  }
0x2a: {  	s14 =	simm.s32 $0x1  }
0x2b: {  	_ =	swait.ge [sflag:s4], $0x2000;
	s14 =	simm.s32 @!p0 $0x0  }
0x2c: {  	[sflag:s4] =	ssyncset.done $0x0;
	s15 =	sshll.u32 s14, $0xD  }
0x2d: {  	[sflag:s4] =	ssyncadd.s32 $0xFFFFE000;
	s18 =	sor.u32 $0x20, s15  }
0x2e: {  	s14 =	smul.u32 $0x8100, s14;
	v3 =	vld [tilespmem:s18+$0x10]  }
0x2f: {  	s30 =	sand.u32 $0x1, s11;
	v2 =	vld [tilespmem:s18+$0xFFFFFFF0]  }
0x30: {  	s15 =	smul.u32 $0x8100, s30;
	s14 =	sshrl.u32 s14, $0x2;
	v0 =	vld [tilespmem:s18+$0x0]  }
0x31: {  	v1 =	vld [tilespmem:s18+$0xFFFFFFE0];
	s16 =	sor.u32 $0x4000, s14  }
0x32: {  	s31 =	sshrl.u32 s15, $0x2;
	s15 =	sadd.s32 $0x0, s16  }
0x33: {  	s17 =	simm.s32 $0x4;
	s18 =	sadd.s32 $0x40, s18;
	s14 =	sor.u32 $0x4000, s31;
	[tilespmem:s15+$0x1830 ss:$0x81] =	vst.msk $0xffff, v3  }
.LBB1_3:
0x34: {  	v3 =	vld [tilespmem:s18+$0x10];
	p1 =	sne.s32 s17, $0x1FC;
	[tilespmem:s15+$0x810 ss:$0x81] =	vst.msk $0xffff, v2;
	s19 =	smov.u32 s17;
	s17 =	sadd.s32 $0x4, s17  }
.Ltmp3:
0x35: {  	v2 =	vld [tilespmem:s18+$0xFFFFFFF0];
	[tilespmem:s15+$0x1020 ss:$0x81] =	vst.msk $0xffff, v0;
	(pc) =	sbr.rel @p1 .LBB1_3-.Ltmp3, $4  }
0x36: {  	v0 =	vld [tilespmem:s18+$0x0];
	[tilespmem:s15+$0x0 ss:$0x81] =	vst.msk $0xffff, v1  }
0x37: {  	s15 =	sshra.s32 s19, $0x2;
	v1 =	vld [tilespmem:s18+$0xFFFFFFE0]  }
0x38: {  	s15 =	sadd.s32 s15, s16  }
0x39: {  	s18 =	sadd.s32 $0x40, s18;
	[tilespmem:s15+$0x1830 ss:$0x81] =	vst.msk $0xffff, v3  }
.Ltmp4:
0x3a: {  	_ = 	snop;
	(pc) =	sbr.rel .LBB1_4-.Ltmp4, $1  }
0x3b: {  	_ =	sdelay $0x3  }
.LBB1_6:
0x3c: {  	_ =	sfence.sel $0x180000  }
0x3d: {  	s2 =	simm.s32 $0x1;
	[bflag:$0x0] =	sbarrier.arrive $0xFFFF  }
0x3e: {  	s31 =	simm.s32 $0x2;
	[sflag:s2] =	ssyncpa.u1 $0x1  }
0x3f: {  	[sflag:s31] =	ssyncpa.u1 $0x1  }
0x40: {  	p0 =	sne.s32 s0, $0x0;
	_ =	strace $0x9000004A  }
0x41: {  	s0 =	sadd.s32 @!p0 $0x100000, s1;
	[bflag:$0x2] =	sbarrier.arrive $0xFFFF  }
0x42: {  	[sflag:s0] =	ssyncadd.tile.s32 @!p0 $0x1;
	_ =	shalt  }
.Lfunc_end1:
_tile_overlayer_lowered:
.L_overlay_start_2:
0x43: {  	(tag) =	ssettag $0x2  }
0x44: {  	s0 =	rddreg [dreg:$0x0];
	s2 =	stileid.u32  }
0x45: {  	s1 =	rddreg [dreg:$0x1];
	p0 =	sne.s32 s2, $0x0  }
0x46: {  	s3 =	rddreg [dreg:$0x2];
	[bflag:$0x3] =	sbarrier.arrive $0xFFFF;
	s2 =	simm.s32 @!p0 $0x1C01  }
0x47: {  	[timem:s3], [sflag:s2] =	dma.local @!p0 [hbm:s0], s1  }
0x48: {  	s0 =	simm.s32 @!p0 $0x1  }
0x49: {  	_ =	swait.ge @!p0 [sflag:s0], s1  }
0x4a: {  	s1 =	ssub.s32 @!p0 $0x0, s1;
	[sflag:s0] =	ssyncset.done @!p0 $0x0  }
0x4b: {  	[sflag:s0] =	ssyncadd.s32 @!p0 s1  }
0x4c: {  	[bflag:$0x3] =	sbarrier.arrive $0xFFFF  }
0x4d: {  	_ =	shalt  }

</sc_bundles>
